<compile_context>
chip_gen: v7x
topology: tpu7x:2x2x1
jax: 0.10.2.dev20260603
libtpu: 0.0.44.dev20260713+nightly
codegen_flags: <defaults>
</compile_context>

<pallas_src>
import functools

import jax
import jax.numpy as jnp
from jax.experimental import pallas as pl

PC = (0.0, -40.0, -3.0, 70.4, 40.0, 1.0)
PILLAR = 0.1
H = 800
W = 704
C = 32
NB = 4096


def _mlp_body(pts_ref, wt_ref, a_ref, d_ref, h_ref, seg_ref):
    pts = pts_ref[0]
    x = pts[0:1, :]
    y = pts[1:2, :]
    cxf = jnp.floor((x - PC[0]) / PILLAR)
    cyf = jnp.floor((y - PC[1]) / PILLAR)
    cx = cxf.astype(jnp.int32)
    cy = cyf.astype(jnp.int32)
    mask = (cx >= 0) & (cx < W) & (cy >= 0) & (cy < H)
    cxc = jnp.clip(cx, 0, W - 1)
    cyc = jnp.clip(cy, 0, H - 1)
    center_x = (cxc.astype(jnp.float32) + 0.5) * PILLAR + PC[0]
    center_y = (cyc.astype(jnp.float32) + 0.5) * PILLAR + PC[1]
    dx = x - center_x
    dy = y - center_y
    feats = jnp.concatenate([pts[0:5, :], dx, dy, jnp.zeros_like(dx)], axis=0)
    h = jnp.dot(wt_ref[...], feats, preferred_element_type=jnp.float32)
    h = h * a_ref[...] + d_ref[...]
    h = jnp.maximum(h, 0.0) * mask.astype(jnp.float32)
    h_ref[0] = h
    b = pl.program_id(0)
    seg_ref[0] = b * (H * W) + cyc * W + cxc


def kernel(points, Wm, b, gamma, beta, mean, var):
    B, N, _ = points.shape
    NP = ((N + NB - 1) // NB) * NB
    pts_t = jnp.transpose(points, (0, 2, 1))
    pts_t = jnp.pad(pts_t, ((0, 0), (0, 3), (0, NP - N)), constant_values=-1.0)
    s = gamma / jnp.sqrt(var + 1e-5)
    a_col = s.reshape(C, 1)
    d_col = ((b - mean) * s + beta).reshape(C, 1)
    wt = jnp.pad(Wm, ((0, 1), (0, 0))).T

    grid = (B, NP // NB)
    h_t, seg = pl.pallas_call(
        _mlp_body,
        grid=grid,
        in_specs=[
            pl.BlockSpec((1, 8, NB), lambda bb, i: (bb, 0, i)),
            pl.BlockSpec((C, 8), lambda bb, i: (0, 0)),
            pl.BlockSpec((C, 1), lambda bb, i: (0, 0)),
            pl.BlockSpec((C, 1), lambda bb, i: (0, 0)),
        ],
        out_specs=[
            pl.BlockSpec((1, C, NB), lambda bb, i: (bb, 0, i)),
            pl.BlockSpec((1, 1, NB), lambda bb, i: (bb, 0, i)),
        ],
        out_shape=[
            jax.ShapeDtypeStruct((B, C, NP), jnp.float32),
            jax.ShapeDtypeStruct((B, 1, NP), jnp.int32),
        ],
    )(pts_t, wt, a_col, d_col)

    h_cm = h_t.transpose(1, 0, 2).reshape(C, B * NP)
    seg_flat = seg.reshape(B * NP)
    pooled = jnp.zeros((C, B * H * W), jnp.float32).at[:, seg_flat].max(
        h_cm, mode="promise_in_bounds", unique_indices=False)
    return pooled.reshape(C, B, H, W).transpose(1, 0, 2, 3)

# --- scband reference (transcript-rebuilt; emitter-appended) ---
"""Pipeline reference for scband-dynamic-pfe-25958782337407 (READ-ONLY COPY).

The authoritative reference and input builder live on the scoring server;
editing this copy changes nothing except your own understanding.
"""

import jax, jax.numpy as jnp
import numpy as np

PC_RANGE = (0.0, -40.0, -3.0, 70.4, 40.0, 1.0)
PILLAR = 0.1
H = int(round((PC_RANGE[4] - PC_RANGE[1]) / PILLAR))  # 800
W_GRID = int(round((PC_RANGE[3] - PC_RANGE[0]) / PILLAR))  # 704
C_OUT = 32


def setup_inputs(seed: int = 0) -> dict:
    key = jax.random.key(seed)
    k1, k2 = jax.random.split(key, 2)
    B, N, C = 2, 150000, 5
    u = jax.random.uniform(k1, (B, N, C), dtype=jnp.float32)
    x = u[..., 0] * (PC_RANGE[3] - PC_RANGE[0]) + PC_RANGE[0]
    y = u[..., 1] * (PC_RANGE[4] - PC_RANGE[1]) + PC_RANGE[1]
    z = u[..., 2] * (PC_RANGE[5] - PC_RANGE[2]) + PC_RANGE[2]
    rest = u[..., 3:]
    points = jnp.concatenate([x[..., None], y[..., None], z[..., None], rest], axis=-1)
    Wm = jax.random.normal(k2, (7, C_OUT), dtype=jnp.float32) * 0.1
    b = jnp.zeros((C_OUT,), dtype=jnp.float32)
    gamma = jnp.ones((C_OUT,), dtype=jnp.float32)
    beta = jnp.zeros((C_OUT,), dtype=jnp.float32)
    mean = jnp.zeros((C_OUT,), dtype=jnp.float32)
    var = jnp.ones((C_OUT,), dtype=jnp.float32)
    return {"points": points, "Wm": Wm, "b": b, "gamma": gamma, "beta": beta, "mean": mean, "var": var}


def reference(points, Wm, b, gamma, beta, mean, var):
    B, N, _ = points.shape
    x = points[..., 0]
    y = points[..., 1]
    cx = jnp.floor((x - PC_RANGE[0]) / PILLAR).astype(jnp.int32)
    cy = jnp.floor((y - PC_RANGE[1]) / PILLAR).astype(jnp.int32)
    mask = (cx >= 0) & (cx < W_GRID) & (cy >= 0) & (cy < H)
    cxc = jnp.clip(cx, 0, W_GRID - 1)
    cyc = jnp.clip(cy, 0, H - 1)
    center_x = (cxc.astype(points.dtype) + 0.5) * PILLAR + PC_RANGE[0]
    center_y = (cyc.astype(points.dtype) + 0.5) * PILLAR + PC_RANGE[1]
    # augment: raw 5 features + offsets to pillar center (2) -> 7 = 2 + in_channels
    feats = jnp.concatenate([points, (x - center_x)[..., None], (y - center_y)[..., None]], axis=-1)
    # PFN MLP: linear + batchnorm (eval) + relu
    h = feats @ Wm + b
    h = (h - mean) / jnp.sqrt(var + 1e-5) * gamma + beta
    h = jax.nn.relu(h)
    # pillar-wise max pooling via segment_max; out-of-range points routed to overflow segment
    batch_off = jnp.arange(B, dtype=jnp.int32)[:, None] * (H * W_GRID)
    seg = batch_off + cyc * W_GRID + cxc
    seg = jnp.where(mask, seg, B * H * W_GRID)
    pooled = jax.ops.segment_max(h.reshape(-1, C_OUT), seg.reshape(-1), num_segments=B * H * W_GRID + 1)
    pooled = pooled[:-1]
    pooled = jnp.where(jnp.isfinite(pooled), pooled, 0.0)  # empty pillars -> 0
    out = pooled.reshape(B, H, W_GRID, C_OUT).transpose(0, 3, 1, 2)
    return out

if __name__ == "__main__":
    import jax
    _d = setup_inputs()
    print(jax.jit(kernel)(*tuple(_d.values())))

</pallas_src>

<mosaic_0001>
module attributes {stable_mosaic.version = 14 : i64} {
  func.func @_mlp_body(%arg0: i32, %arg1: i32, %arg2: memref<1x8x4096xf32, #tpu.memory_space<vmem>>, %arg3: memref<32x8xf32, #tpu.memory_space<vmem>>, %arg4: memref<32x1xf32, #tpu.memory_space<vmem>>, %arg5: memref<32x1xf32, #tpu.memory_space<vmem>>, %arg6: memref<1x32x4096xf32, #tpu.memory_space<vmem>>, %arg7: memref<1x1x4096xi32, #tpu.memory_space<vmem>>) attributes {dimension_semantics = [#tpu.dimension_semantics<arbitrary>, #tpu.dimension_semantics<arbitrary>], iteration_bounds = array<i64: 2, 37>, scalar_prefetch = 0 : i64, scratch_operands = 0 : i64, tpu.core_type = #tpu.core_type<tc>, window_params = [{transform_indices = @transform_0, window_bounds = array<i64: 1, 8, 4096>}, {pipeline_mode = #tpu.pipeline_mode<synchronous>, transform_indices = @transform_1, window_bounds = array<i64: 32, 8>}, {pipeline_mode = #tpu.pipeline_mode<synchronous>, transform_indices = @transform_2, window_bounds = array<i64: 32, 1>}, {pipeline_mode = #tpu.pipeline_mode<synchronous>, transform_indices = @transform_3, window_bounds = array<i64: 32, 1>}, {transform_indices = @transform_4, window_bounds = array<i64: 1, 32, 4096>}, {transform_indices = @transform_5, window_bounds = array<i64: 1, 1, 4096>}]} {
    %get3A = arith.constant 0 : index
    %get3A_0 = arith.constant 0 : index
    %get3A_1 = arith.constant 0 : index
    %get3A_2 = vector.load %arg2[%get3A, %get3A_0, %get3A_1] : memref<1x8x4096xf32, #tpu.memory_space<vmem>>, vector<1x8x4096xf32>
    %get3A_3 = vector.shape_cast %get3A_2 : vector<1x8x4096xf32> to vector<8x4096xf32>
    %slice3A = vector.extract_strided_slice %get3A_3 {offsets = [0, 0], sizes = [1, 4096], strides = [1, 1]} : vector<8x4096xf32> to vector<1x4096xf32>
    %slice3A_4 = vector.extract_strided_slice %get3A_3 {offsets = [1, 0], sizes = [1, 4096], strides = [1, 1]} : vector<8x4096xf32> to vector<1x4096xf32>
    %sub3A = arith.constant 0.000000e+00 : f32
    %sub3A_5 = vector.broadcast %sub3A : f32 to vector<1x4096xf32>
    %sub3A_6 = arith.subf %slice3A, %sub3A_5 : vector<1x4096xf32>
    %div3A = arith.constant 1.000000e-01 : f32
    %div3A_7 = vector.broadcast %div3A : f32 to vector<1x4096xf32>
    %div3A_8 = arith.divf %sub3A_6, %div3A_7 : vector<1x4096xf32>
    %floor3A = math.floor %div3A_8 : vector<1x4096xf32>
    %sub3A_9 = arith.constant -4.000000e+01 : f32
    %sub3A_10 = vector.broadcast %sub3A_9 : f32 to vector<1x4096xf32>
    %sub3A_11 = arith.subf %slice3A_4, %sub3A_10 : vector<1x4096xf32>
    %div3A_12 = arith.constant 1.000000e-01 : f32
    %div3A_13 = vector.broadcast %div3A_12 : f32 to vector<1x4096xf32>
    %div3A_14 = arith.divf %sub3A_11, %div3A_13 : vector<1x4096xf32>
    %floor3A_15 = math.floor %div3A_14 : vector<1x4096xf32>
    %convert_element_type3A = arith.fptosi %floor3A : vector<1x4096xf32> to vector<1x4096xi32>
    %convert_element_type3A_16 = arith.fptosi %floor3A_15 : vector<1x4096xf32> to vector<1x4096xi32>
    %ge3A = arith.constant 0 : i32
    %ge3A_17 = vector.broadcast %ge3A : i32 to vector<1x4096xi32>
    %ge3A_18 = arith.cmpi sge, %convert_element_type3A, %ge3A_17 : vector<1x4096xi32>
    %lt3A = arith.constant 704 : i32
    %lt3A_19 = vector.broadcast %lt3A : i32 to vector<1x4096xi32>
    %lt3A_20 = arith.cmpi slt, %convert_element_type3A, %lt3A_19 : vector<1x4096xi32>
    %and3A = arith.andi %ge3A_18, %lt3A_20 : vector<1x4096xi1>
    %ge3A_21 = arith.constant 0 : i32
    %ge3A_22 = vector.broadcast %ge3A_21 : i32 to vector<1x4096xi32>
    %ge3A_23 = arith.cmpi sge, %convert_element_type3A_16, %ge3A_22 : vector<1x4096xi32>
    %and3A_24 = arith.andi %and3A, %ge3A_23 : vector<1x4096xi1>
    %lt3A_25 = arith.constant 800 : i32
    %lt3A_26 = vector.broadcast %lt3A_25 : i32 to vector<1x4096xi32>
    %lt3A_27 = arith.cmpi slt, %convert_element_type3A_16, %lt3A_26 : vector<1x4096xi32>
    %and3A_28 = arith.andi %and3A_24, %lt3A_27 : vector<1x4096xi1>
    %jit3A = arith.constant 0 : i32
    %jit3A_29 = arith.constant 703 : i32
    %max3A = vector.broadcast %jit3A : i32 to vector<1x4096xi32>
    %max3A_30 = arith.maxsi %max3A, %convert_element_type3A : vector<1x4096xi32>
    %min3A = vector.broadcast %jit3A_29 : i32 to vector<1x4096xi32>
    %min3A_31 = arith.minsi %min3A, %max3A_30 : vector<1x4096xi32>
    %jit3A_32 = arith.constant 0 : i32
    %jit3A_33 = arith.constant 799 : i32
    %max3A_34 = vector.broadcast %jit3A_32 : i32 to vector<1x4096xi32>
    %max3A_35 = arith.maxsi %max3A_34, %convert_element_type3A_16 : vector<1x4096xi32>
    %min3A_36 = vector.broadcast %jit3A_33 : i32 to vector<1x4096xi32>
    %min3A_37 = arith.minsi %min3A_36, %max3A_35 : vector<1x4096xi32>
    %convert_element_type3A_38 = arith.sitofp %min3A_31 : vector<1x4096xi32> to vector<1x4096xf32>
    %add3A = arith.constant 5.000000e-01 : f32
    %add3A_39 = vector.broadcast %add3A : f32 to vector<1x4096xf32>
    %add3A_40 = arith.addf %convert_element_type3A_38, %add3A_39 : vector<1x4096xf32>
    %mul3A = arith.constant 1.000000e-01 : f32
    %mul3A_41 = vector.broadcast %mul3A : f32 to vector<1x4096xf32>
    %mul3A_42 = arith.mulf %add3A_40, %mul3A_41 : vector<1x4096xf32>
    %add3A_43 = arith.constant 0.000000e+00 : f32
    %add3A_44 = vector.broadcast %add3A_43 : f32 to vector<1x4096xf32>
    %add3A_45 = arith.addf %mul3A_42, %add3A_44 : vector<1x4096xf32>
    %convert_element_type3A_46 = arith.sitofp %min3A_37 : vector<1x4096xi32> to vector<1x4096xf32>
    %add3A_47 = arith.constant 5.000000e-01 : f32
    %add3A_48 = vector.broadcast %add3A_47 : f32 to vector<1x4096xf32>
    %add3A_49 = arith.addf %convert_element_type3A_46, %add3A_48 : vector<1x4096xf32>
    %mul3A_50 = arith.constant 1.000000e-01 : f32
    %mul3A_51 = vector.broadcast %mul3A_50 : f32 to vector<1x4096xf32>
    %mul3A_52 = arith.mulf %add3A_49, %mul3A_51 : vector<1x4096xf32>
    %add3A_53 = arith.constant -4.000000e+01 : f32
    %add3A_54 = vector.broadcast %add3A_53 : f32 to vector<1x4096xf32>
    %add3A_55 = arith.addf %mul3A_52, %add3A_54 : vector<1x4096xf32>
    %sub3A_56 = arith.subf %slice3A, %add3A_45 : vector<1x4096xf32>
    %sub3A_57 = arith.subf %slice3A_4, %add3A_55 : vector<1x4096xf32>
    %slice3A_58 = vector.extract_strided_slice %get3A_3 {offsets = [0, 0], sizes = [5, 4096], strides = [1, 1]} : vector<8x4096xf32> to vector<5x4096xf32>
    %broadcast_in_dim3A = arith.constant 0.000000e+00 : f32
    %broadcast_in_dim3A_59 = vector.broadcast %broadcast_in_dim3A : f32 to vector<1x4096xf32>
    %concatenate3A = tpu.concatenate %slice3A_58, %sub3A_56, %sub3A_57, %broadcast_in_dim3A_59 in 0 : vector<5x4096xf32>, vector<1x4096xf32>, vector<1x4096xf32>, vector<1x4096xf32> -> vector<8x4096xf32>
    %get3A_60 = arith.constant 0 : index
    %get3A_61 = arith.constant 0 : index
    %get3A_62 = vector.load %arg3[%get3A_60, %get3A_61] : memref<32x8xf32, #tpu.memory_space<vmem>>, vector<32x8xf32>
    %dot_general3A = arith.constant dense<0.000000e+00> : vector<32x4096xf32>
    %dot_general3A_63 = tpu.matmul %get3A_62, %concatenate3A, %dot_general3A {dimension_numbers = #tpu.dot_dimension_numbers<[1], [0], [0], [1], [0, 0, 1, 1], [], []>, transpose_lhs_hint = false} : vector<32x8xf32>, vector<8x4096xf32>, vector<32x4096xf32> -> vector<32x4096xf32>
    %get3A_64 = arith.constant 0 : index
    %get3A_65 = arith.constant 0 : index
    %get3A_66 = vector.load %arg4[%get3A_64, %get3A_65] : memref<32x1xf32, #tpu.memory_space<vmem>>, vector<32x1xf32>
    %mul3A_67 = vector.broadcast %get3A_66 : vector<32x1xf32> to vector<32x4096xf32>
    %mul3A_68 = arith.mulf %dot_general3A_63, %mul3A_67 : vector<32x4096xf32>
    %get3A_69 = arith.constant 0 : index
    %get3A_70 = arith.constant 0 : index
    %get3A_71 = vector.load %arg5[%get3A_69, %get3A_70] : memref<32x1xf32, #tpu.memory_space<vmem>>, vector<32x1xf32>
    %add3A_72 = vector.broadcast %get3A_71 : vector<32x1xf32> to vector<32x4096xf32>
    %add3A_73 = arith.addf %mul3A_68, %add3A_72 : vector<32x4096xf32>
    %max3A_74 = arith.constant 0.000000e+00 : f32
    %max3A_75 = vector.broadcast %max3A_74 : f32 to vector<32x4096xf32>
    %max3A_76 = arith.maximumf %add3A_73, %max3A_75 : vector<32x4096xf32>
    %convert_element_type3A_77 = arith.extui %and3A_28 : vector<1x4096xi1> to vector<1x4096xi32>
    %convert_element_type3A_78 = arith.sitofp %convert_element_type3A_77 : vector<1x4096xi32> to vector<1x4096xf32>
    %mul3A_79 = vector.broadcast %convert_element_type3A_78 : vector<1x4096xf32> to vector<32x4096xf32>
    %mul3A_80 = arith.mulf %max3A_76, %mul3A_79 : vector<32x4096xf32>
    %swap3A = arith.constant 0 : index
    %swap3A_81 = arith.constant 0 : index
    %swap3A_82 = arith.constant 0 : index
    %swap3A_83 = vector.load %arg6[%swap3A, %swap3A_81, %swap3A_82] : memref<1x32x4096xf32, #tpu.memory_space<vmem>>, vector<1x32x4096xf32>
    %swap3A_84 = vector.shape_cast %swap3A_83 : vector<1x32x4096xf32> to vector<32x4096xf32>
    %swap3A_85 = vector.shape_cast %mul3A_80 : vector<32x4096xf32> to vector<1x32x4096xf32>
    tpu.vector_store %arg6[%swap3A, %swap3A_81, %swap3A_82], %swap3A_85 {strides = array<i32>} : memref<1x32x4096xf32, #tpu.memory_space<vmem>>, vector<1x32x4096xf32>,
    %mul3A_86 = arith.constant 563200 : i32
    %mul3A_87 = arith.muli %arg0, %mul3A_86 : i32
    %mul3A_88 = arith.constant 704 : i32
    %mul3A_89 = vector.broadcast %mul3A_88 : i32 to vector<1x4096xi32>
    %mul3A_90 = arith.muli %min3A_37, %mul3A_89 : vector<1x4096xi32>
    %add3A_91 = vector.broadcast %mul3A_87 : i32 to vector<1x4096xi32>
    %add3A_92 = arith.addi %add3A_91, %mul3A_90 : vector<1x4096xi32>
    %add3A_93 = arith.addi %add3A_92, %min3A_31 : vector<1x4096xi32>
    %swap3A_94 = arith.constant 0 : index
    %swap3A_95 = arith.constant 0 : index
    %swap3A_96 = arith.constant 0 : index
    %swap3A_97 = vector.load %arg7[%swap3A_94, %swap3A_95, %swap3A_96] : memref<1x1x4096xi32, #tpu.memory_space<vmem>>, vector<1x1x4096xi32>
    %swap3A_98 = vector.shape_cast %swap3A_97 : vector<1x1x4096xi32> to vector<1x4096xi32>
    %swap3A_99 = vector.shape_cast %add3A_93 : vector<1x4096xi32> to vector<1x1x4096xi32>
    tpu.vector_store %arg7[%swap3A_94, %swap3A_95, %swap3A_96], %swap3A_99 {strides = array<i32>} : memref<1x1x4096xi32, #tpu.memory_space<vmem>>, vector<1x1x4096xi32>,
    return
  }
  func.func @transform_0(%arg0: i32, %arg1: i32) -> (i32, i32, i32) {
    %c0_i32 = arith.constant 0 : i32
    %c0_i32_0 = arith.constant 0 : i32
    return %arg0, %c0_i32, %arg1 : i32, i32, i32
  }
  func.func @transform_1(%arg0: i32, %arg1: i32) -> (i32, i32) {
    %c0_i32 = arith.constant 0 : i32
    %c0_i32_0 = arith.constant 0 : i32
    %c0_i32_1 = arith.constant 0 : i32
    return %c0_i32, %c0_i32_0 : i32, i32
  }
  func.func @transform_2(%arg0: i32, %arg1: i32) -> (i32, i32) {
    %c0_i32 = arith.constant 0 : i32
    %c0_i32_0 = arith.constant 0 : i32
    %c0_i32_1 = arith.constant 0 : i32
    return %c0_i32, %c0_i32_0 : i32, i32
  }
  func.func @transform_3(%arg0: i32, %arg1: i32) -> (i32, i32) {
    %c0_i32 = arith.constant 0 : i32
    %c0_i32_0 = arith.constant 0 : i32
    %c0_i32_1 = arith.constant 0 : i32
    return %c0_i32, %c0_i32_0 : i32, i32
  }
  func.func @transform_4(%arg0: i32, %arg1: i32) -> (i32, i32, i32) {
    %c0_i32 = arith.constant 0 : i32
    %c0_i32_0 = arith.constant 0 : i32
    return %arg0, %c0_i32, %arg1 : i32, i32, i32
  }
  func.func @transform_5(%arg0: i32, %arg1: i32) -> (i32, i32, i32) {
    %c0_i32 = arith.constant 0 : i32
    %c0_i32_0 = arith.constant 0 : i32
    return %arg0, %c0_i32, %arg1 : i32, i32, i32
  }
}

</mosaic_0001>

<sc_bundles>
// kernel: scatter_offload_async_start
scs
__scs_entry_jumppad:
0x0: {  	(pc) =	sbr.rel $0x88, $3  }
0x1: {  	(tag) =	ssettag $0x0;
	lr =	simm.s32 $0x1  }
0x2: {  	[smem:$0x3F9A] =	sst lr;
	_ =	strace $0xD0000000  }
0x3: {  	_ = 	snop  }
0x4: {  	_ = 	snop  }
0x5: {  	_ = 	snop  }
0x6: {  	_ = 	snop  }
0x7: {  	_ = 	snop  }
__scs_overlays_trampoline_lowered:
0x8: {  	[smem:$0x3FA9] =	sst s0  }
0x9: {  	[smem:$0x3FAA] =	sst s1  }
0xa: {  	[smem:$0x3FAB] =	sst s2  }
0xb: {  	[smem:$0x3FAC] =	sst s3  }
0xc: {  	[smem:$0x3FAD] =	sst s4  }
0xd: {  	[smem:$0x3FAE] =	sst s5  }
0xe: {  	[smem:$0x3FAF] =	sst s6  }
0xf: {  	[smem:$0x3FB0] =	sst s7  }
0x10: {  	[smem:$0x3FB1] =	sst s8  }
0x11: {  	[smem:$0x3FB2] =	sst s9;
	s0 =	simm.s32 @!p0 $0x0  }
0x12: {  	s1 =	sld [smem:$0x3F98];
	s0 =	simm.s32 @p0 $0x1  }
0x13: {  	[smem:$0x3FB3] =	sst s0;
	s0 =	simm.s32 @!p1 $0x0  }
0x14: {  	s2 =	sld [smem:$0x3F97];
	s0 =	simm.s32 @p1 $0x1  }
0x15: {  	[smem:$0x3FB4] =	sst s0;
	s0 =	simm.s32 @!p2 $0x0  }
0x16: {  	s3 =	sld [smem:$0x3FDB];
	s0 =	simm.s32 @p2 $0x1  }
0x17: {  	s4 =	simm.s32 $0x1BF5;
	[smem:$0x3FB6] =	sst s0  }
0x18: {  	s0 =	sld [smem:$0x3F99];
	_ =	swait.ge [sflag:s4], $0x0  }
0x19: {  	s7 =	sld [smem:$0x3F9A]  }
0x1a: {  	s8 =	sadd.s32 $0xFFFFE003, lr  }
0x1b: {  	s9 =	sadd.s32 $0xFFFFFEF7, lr;
	s5 =	simm.s32 $0xFFFFFFFF;
	p2 =	slt.u32 s8, $0xFFFFF086  }
0x1c: {  	p1 =	slt.u32 s9, $0xF7A;
	s5 =	simm.s32 @!p2 $0x0  }
0x1d: {  	s5 =	simm.s32 @p1 $0x1;
	p0 =	seq.s32 s7, s2  }
0x1e: {  	s7 =	smul.u32 @!p0 $0xF7A, s2;
	p2 =	seq.s32 @!p0 s5, $0x0  }
0x1f: {  	s9 =	smul.u32 $0xF7A, s1;
	s8 =	simm.s32 @!p0 $0x1BF5;
	p2 =	por !p2, p0  }
0x20: {  	[sflag:s8] =	ssyncset.s32 @!p0 $0xFFFFF086;
	s6 =	sadd.s32 @!p0 s3, s7;
	s7 =	simm.s32 @!p0 $0x108  }
0x21: {  	s3 =	sadd.s32 s3, s9;
	s6 =	sadd.s32 @!p0 $0x88, s6;
	s7 =	simm.s32 @p2 $0x1082  }
0x22: {  	[simem:s7], [sflag:s8] =	dma.local @!p0 [hbm:s6], $0xF7A  }
0x23: {  	s9 =	sor.u32 $0xD0000000, s2;
	s6 =	simm.s32 $0x108;
	_ =	swait.ge @!p0 [sflag:s8], $0x0  }
0x24: {  	s3 =	sadd.s32 $0x88, s3;
	s6 =	simm.s32 @!p1 $0x1082;
	[sflag:s4] =	ssyncset.s32 $0xFFFFF086  }
0x25: {  	[simem:s6], [sflag:s4] =	dma.local [hbm:s3], $0xF7A  }
0x26: {  	[smem:$0x3F9A] =	sst s1;
	(tag) =	ssettag s2;
	_ =	strace s9  }
0x27: {  	s1 =	sld [smem:$0x3FAA]  }
0x28: {  	s2 =	sld [smem:$0x3FAB]  }
0x29: {  	s4 =	sld [smem:$0x3FAD]  }
0x2a: {  	p0 =	seq.s32 s5, $0x0;
	s5 =	sld [smem:$0x3FAE]  }
0x2b: {  	s6 =	sld [smem:$0x3FAF]  }
0x2c: {  	s7 =	sld [smem:$0x3FB0]  }
0x2d: {  	s3 =	simm.s32 $0x108;
	s8 =	sld [smem:$0x3FB1]  }
0x2e: {  	s3 =	simm.s32 @!p0 $0x1082;
	s9 =	sld [smem:$0x3FB2]  }
0x2f: {  	lr =	sadd.s32 s0, s3;
	s0 =	sld [smem:$0x3FA9]  }
0x30: {  	s3 =	sld [smem:$0x3FAC]  }
0x31: {  	[smem:$0x3FB5] =	sst s10  }
0x32: {  	s10 =	sld [smem:$0x3FB3];
	_ =	sdelay $0x3  }
0x33: {  	p0 =	seq.s32 s10, $0x1;
	s10 =	sld [smem:$0x3FB5];
	_ =	sdelay $0x3  }
0x34: {  	[smem:$0x3FB5] =	sst s10  }
0x35: {  	s10 =	sld [smem:$0x3FB4];
	_ =	sdelay $0x3  }
0x36: {  	p1 =	seq.s32 s10, $0x1;
	s10 =	sld [smem:$0x3FB5];
	_ =	sdelay $0x3  }
0x37: {  	[smem:$0x3FB5] =	sst s10  }
0x38: {  	s10 =	sld [smem:$0x3FB6]  }
0x39: {  	_ = 	snop;
	(pc) =	sbr.ind lr, $3  }
0x3a: {  	_ = 	snop  }
0x3b: {  	_ = 	snop  }
0x3c: {  	p2 =	seq.s32 s10, $0x1;
	s10 =	sld [smem:$0x3FB5]  }
0x3d: {  	_ =	shalt  }
0x3e: {  	_ =	shalt  }
0x3f: {  	_ =	shalt  }
0x40: {  	_ =	shalt  }
0x41: {  	_ =	shalt  }
0x42: {  	_ =	shalt  }
0x43: {  	_ =	shalt  }
0x44: {  	_ =	shalt  }
0x45: {  	_ =	shalt  }
0x46: {  	_ =	shalt  }
0x47: {  	_ =	shalt  }
0x48: {  	_ =	shalt  }
0x49: {  	_ =	shalt  }
0x4a: {  	_ =	shalt  }
0x4b: {  	_ =	shalt  }
0x4c: {  	_ =	shalt  }
0x4d: {  	_ =	shalt  }
0x4e: {  	_ =	shalt  }
0x4f: {  	_ =	shalt  }
0x50: {  	_ =	shalt  }
0x51: {  	_ =	shalt  }
0x52: {  	_ =	shalt  }
0x53: {  	_ =	shalt  }
0x54: {  	_ =	shalt  }
0x55: {  	_ =	shalt  }
0x56: {  	_ =	shalt  }
0x57: {  	_ =	shalt  }
0x58: {  	_ =	shalt  }
0x59: {  	_ =	shalt  }
0x5a: {  	_ =	shalt  }
0x5b: {  	_ =	shalt  }
0x5c: {  	_ =	shalt  }
0x5d: {  	_ =	shalt  }
0x5e: {  	_ =	shalt  }
0x5f: {  	_ =	shalt  }
0x60: {  	_ =	shalt  }
0x61: {  	_ =	shalt  }
0x62: {  	_ =	shalt  }
0x63: {  	_ =	shalt  }
0x64: {  	_ =	shalt  }
0x65: {  	_ =	shalt  }
0x66: {  	_ =	shalt  }
0x67: {  	_ =	shalt  }
0x68: {  	_ =	shalt  }
0x69: {  	_ =	shalt  }
0x6a: {  	_ =	shalt  }
0x6b: {  	_ =	shalt  }
0x6c: {  	_ =	shalt  }
0x6d: {  	_ =	shalt  }
0x6e: {  	_ =	shalt  }
0x6f: {  	_ =	shalt  }
0x70: {  	_ =	shalt  }
0x71: {  	_ =	shalt  }
0x72: {  	_ =	shalt  }
0x73: {  	_ =	shalt  }
0x74: {  	_ =	shalt  }
0x75: {  	_ =	shalt  }
0x76: {  	_ =	shalt  }
0x77: {  	_ =	shalt  }
0x78: {  	_ =	shalt  }
0x79: {  	_ =	shalt  }
0x7a: {  	_ =	shalt  }
0x7b: {  	_ =	shalt  }
0x7c: {  	_ =	shalt  }
0x7d: {  	_ =	shalt  }
0x7e: {  	_ =	shalt  }
0x7f: {  	_ =	shalt  }
0x80: {  	_ =	shalt  }
0x81: {  	_ =	shalt  }
0x82: {  	_ =	shalt  }
0x83: {  	_ =	shalt  }
0x84: {  	_ =	shalt  }
0x85: {  	_ =	shalt  }
0x86: {  	_ =	shalt  }
0x87: {  	_ =	shalt  }
.Lfunc_end0:
.L_simem_size_0:
called_computation_lowered:
.L_overlay_start_0:
0x88: {  	s2 =	sld [smem:$0x3FD9]  }
0x89: {  	s3 =	sld [smem:$0x3FFE];
	_ =	sdelay $0x1  }
0x8a: {  	s1 =	srdreg.scid  }
0x8b: {  	s0 =	sand.u32 $0x1, s1  }
0x8c: {  	s16 =	sshll.u32 s0, $0xA;
	s2 =	sadd.s32 s3, s2  }
0x8d: {  	s2 =	sadd.s32 s2, s16  }
0x8e: {  	[smem:$0x3FC1] =	sst s2  }
0x8f: {  	_ = 	snop  }
0x90: {  	s2 =	sld [smem:$0x3FD0];
	(tm) =	ssettm $0x1  }
0x91: {  	s17 =	sld [smem:$0x3FFB];
	_ =	sdelay $0x3  }
0x92: {  	_ =	strace s17  }
0x93: {  	s3 =	sld [smem:$0x3FFC];
	_ =	sdelay $0x3  }
0x94: {  	_ =	strace s3  }
0x95: {  	s3 =	sld [smem:$0x3FFD];
	_ =	sdelay $0x3  }
0x96: {  	_ =	strace s3  }
0x97: {  	_ =	strace $0x8FFFFFFF  }
0x98: {  	s18 =	sld [smem:$0x3FDB];
	_ =	sdelay $0x1  }
0x99: {  	s4 =	simm.s32 $_scs_section_size  }
0x9a: {  	s5 =	simm.s32 $_size__tile_overlayer_lowered;
	s6 =	simm.s32 $_tile_overlayer_lowered  }
0x9b: {  	s21 =	simm.s32 $0x1BFF;
	s20 =	sshll.u32 s6, $0x1;
	s3 =	sadd.s32 s4, s18  }
0x9c: {  	s7 =	simm.s32 $0x0;
	s19 =	sshll.u32 s5, $0x1;
	s5 =	sadd.s32 s20, s3  }
0x9d: {  	[timem:s7], [sflag:s21] =	dma.local [hbm:s5], s19  }
0x9e: {  	_ =	swait.ge [sflag:s21], s19  }
0x9f: {  	s4 =	ssub.s32 $0x0, s19;
	[sflag:s21] =	ssyncset.done $0x0  }
0xa0: {  	[sflag:s21] =	ssyncadd.s32 s4;
	_ =	sdelay $0x1  }
0xa1: {  	s22 =	simm.s32 $0x1B8B  }
0xa2: {  	_ =	swait.ge [sflag:s22], $0x1  }
0xa3: {  	[sflag:s22] =	ssyncset.done $0x0  }
0xa4: {  	s23 =	sld [smem:$0x3FFE];
	[sflag:s22] =	ssyncadd.s32 $0xFFFFFFFF  }
0xa5: {  	s25 =	simm.s32 $0x1B8E;
	s24 =	sld [smem:$0x0]  }
0xa6: {  	s26 =	simm.s32 $execute0_lowered;
	[smem:$0x3FD2] =	sst s25  }
0xa7: {  	s6 =	sshll.u32 s26, $0x1;
	_ =	strace $0x8000004C;
	[dreg:$0x1] =	wrdreg $0xFFFFFFFF  }
0xa8: {  	s28 =	simm.s32 $_size_execute0_lowered;
	s3 =	sadd.s32 s3, s6;
	[dreg:$0x0] =	wrdreg $0x0  }
0xa9: {  	s6 =	sshll.u32 s28, $0x1;
	[dreg:$0x2] =	wrdreg s3  }
0xaa: {  	[dreg:$0x3] =	wrdreg s6  }
0xab: {  	[dreg:$0x4] =	wrdreg $0xC0  }
0xac: {  	_ =	task [dreg:s7], $0x5FFFF  }
0xad: {  	[dreg:$0x1] =	wrdreg $0xFFFFFFFF  }
0xae: {  	[dreg:$0x0] =	wrdreg $0x60  }
0xaf: {  	[dreg:$0x2] =	wrdreg s23  }
0xb0: {  	[dreg:$0x3] =	wrdreg s2  }
0xb1: {  	[dreg:$0x4] =	wrdreg s1  }
0xb2: {  	[dreg:$0x5] =	wrdreg s24  }
0xb3: {  	[dreg:$0x6] =	wrdreg $0x9  }
0xb4: {  	_ =	task.clear_ibuf [dreg:s7], $0x7FFFF;
	_ =	strace $0x9000004C  }
0xb5: {  	s29 =	simm.s32 $0x9;
	_ =	strace $0x8000004E  }
0xb6: {  	_ =	swait.ge [sflag:s29], $0x1  }
0xb7: {  	[sflag:s29] =	ssyncadd.s32 $0xFFFFFFFF  }
0xb8: {  	_ =	strace $0x9000004E  }
0xb9: {  	_ =	sfence  }
0xba: {  	s30 =	sld [smem:$0x0];
	_ =	sdelay $0x2  }
0xbb: {  	s31 =	sshll.u32 s1, $0xD;
	s1 =	sshrl.u32 s1, $0x2  }
0xbc: {  	s3 =	sand.u32 $0x4000, s31;
	s1 =	sadd.s32 s1, s30  }
0xbd: {  	s0 =	sor.u32 s3, s0;
	s1 =	sshll.u32 s1, $0x11  }
0xbe: {  	s0 =	sor.u32 s1, s0  }
0xbf: {  	s0 =	sadd.s32 $0x8F2B, s0  }
0xc0: {  	[sflag:s0] =	ssyncadd.remote.s32 $0x1  }
0xc1: {  	_ =	sfence.sel $0xFFFF  }
0xc2: {  	[dreg:$0x0] =	wrdreg $0xFFFFFFFF;
	(pc) =	sbr.abs _section_cstart, $3  }
0xc3: {  	[dreg:$0x1] =	wrdreg $0xFFFFFFFF  }
0xc4: {  	_ =	task.clear_ibuf [dreg:s7], $0x2FFFF;
	_ =	strace $0x9FFFFFFF  }
0xc5: {  	(tm) =	ssettm $0x7FFFFFFF  }
tec
execute0_lowered:
.L_overlay_start_1:
0x0: {  	(tag) =	ssettag $0x1  }
0x1: {  	s8 =	rddreg [dreg:$0x0]  }
0x2: {  	s3 =	rddreg [dreg:$0x1]  }
0x3: {  	s2 =	rddreg [dreg:$0x2];
	_ =	strace $0x8000004D;
	s4 =	simm.s32 $0x1  }
0x4: {  	v0 =	vimm.s32 $0x0;
	[sflag:s4] =	ssyncpa.u1 $0x0  }
0x5: {  	[tilespmem:$0x48] =	vst v0  }
0x6: {  	[tilespmem:$0x58] =	vst v0  }
0x7: {  	[tilespmem:$0x68] =	vst v0  }
0x8: {  	[tilespmem:$0x78] =	vst v0  }
0x9: {  	[tilespmem:$0x88] =	vst v0  }
0xa: {  	[tilespmem:$0x98] =	vst v0  }
0xb: {  	[tilespmem:$0xA8] =	vst v0  }
0xc: {  	[tilespmem:$0xB8] =	vst v0  }
0xd: {  	[tilespmem:$0xC8] =	vst v0  }
0xe: {  	[tilespmem:$0xD8] =	vst v0  }
0xf: {  	[tilespmem:$0xE8] =	vst v0  }
0x10: {  	[tilespmem:$0xF8] =	vst v0  }
0x11: {  	[tilespmem:$0x108] =	vst v0  }
0x12: {  	[tilespmem:$0x118] =	vst v0  }
0x13: {  	[tilespmem:$0x128] =	vst v0  }
0x14: {  	[tilespmem:$0x138] =	vst v0  }
0x15: {  	[tilespmem:$0x148] =	vst v0  }
0x16: {  	[tilespmem:$0x158] =	vst v0  }
0x17: {  	[tilespmem:$0x168] =	vst v0  }
0x18: {  	[tilespmem:$0x178] =	vst v0  }
0x19: {  	[tilespmem:$0x188] =	vst v0  }
0x1a: {  	[tilespmem:$0x198] =	vst v0  }
0x1b: {  	[tilespmem:$0x1A8] =	vst v0  }
0x1c: {  	[tilespmem:$0x1B8] =	vst v0  }
0x1d: {  	[tilespmem:$0x1C8] =	vst v0  }
0x1e: {  	[tilespmem:$0x1D8] =	vst v0  }
0x1f: {  	[tilespmem:$0x1E8] =	vst v0  }
0x20: {  	[tilespmem:$0x1F8] =	vst v0  }
0x21: {  	[tilespmem:$0x208] =	vst v0  }
0x22: {  	[tilespmem:$0x218] =	vst v0  }
0x23: {  	[tilespmem:$0x228] =	vst v0  }
0x24: {  	[tilespmem:$0x238] =	vst v0  }
0x25: {  	[tilespmem:$0x248] =	vst v0  }
0x26: {  	[tilespmem:$0x258] =	vst v0  }
0x27: {  	[tilespmem:$0x268] =	vst v0  }
0x28: {  	[tilespmem:$0x278] =	vst v0  }
0x29: {  	[tilespmem:$0x288] =	vst v0  }
0x2a: {  	[tilespmem:$0x298] =	vst v0  }
0x2b: {  	[tilespmem:$0x2A8] =	vst v0  }
0x2c: {  	[tilespmem:$0x2B8] =	vst v0  }
0x2d: {  	[tilespmem:$0x2C8] =	vst v0  }
0x2e: {  	[tilespmem:$0x2D8] =	vst v0  }
0x2f: {  	[tilespmem:$0x2E8] =	vst v0  }
0x30: {  	[tilespmem:$0x2F8] =	vst v0  }
0x31: {  	[tilespmem:$0x308] =	vst v0  }
0x32: {  	[tilespmem:$0x318] =	vst v0  }
0x33: {  	[tilespmem:$0x328] =	vst v0  }
0x34: {  	[tilespmem:$0x338] =	vst v0  }
0x35: {  	[tilespmem:$0x348] =	vst v0  }
0x36: {  	[tilespmem:$0x358] =	vst v0  }
0x37: {  	[tilespmem:$0x368] =	vst v0  }
0x38: {  	[tilespmem:$0x378] =	vst v0  }
0x39: {  	[tilespmem:$0x388] =	vst v0  }
0x3a: {  	[tilespmem:$0x398] =	vst v0  }
0x3b: {  	[tilespmem:$0x3A8] =	vst v0  }
0x3c: {  	[tilespmem:$0x3B8] =	vst v0  }
0x3d: {  	[tilespmem:$0x3C8] =	vst v0  }
0x3e: {  	[tilespmem:$0x3D8] =	vst v0  }
0x3f: {  	[tilespmem:$0x3E8] =	vst v0  }
0x40: {  	[tilespmem:$0x3F8] =	vst v0  }
0x41: {  	[tilespmem:$0x408] =	vst v0  }
0x42: {  	[tilespmem:$0x418] =	vst v0  }
0x43: {  	[tilespmem:$0x428] =	vst v0  }
0x44: {  	[tilespmem:$0x438] =	vst v0  }
0x45: {  	[tilespmem:$0x448] =	vst v0  }
0x46: {  	[tilespmem:$0x458] =	vst v0  }
0x47: {  	[tilespmem:$0x468] =	vst v0  }
0x48: {  	[tilespmem:$0x478] =	vst v0  }
0x49: {  	[tilespmem:$0x488] =	vst v0  }
0x4a: {  	[tilespmem:$0x498] =	vst v0  }
0x4b: {  	[tilespmem:$0x4A8] =	vst v0  }
0x4c: {  	[tilespmem:$0x4B8] =	vst v0  }
0x4d: {  	[tilespmem:$0x4C8] =	vst v0  }
0x4e: {  	[tilespmem:$0x4D8] =	vst v0  }
0x4f: {  	[tilespmem:$0x4E8] =	vst v0  }
0x50: {  	[tilespmem:$0x4F8] =	vst v0  }
0x51: {  	[tilespmem:$0x508] =	vst v0  }
0x52: {  	[tilespmem:$0x518] =	vst v0  }
0x53: {  	[tilespmem:$0x528] =	vst v0  }
0x54: {  	[tilespmem:$0x538] =	vst v0  }
0x55: {  	[tilespmem:$0x548] =	vst v0  }
0x56: {  	[tilespmem:$0x558] =	vst v0  }
0x57: {  	[tilespmem:$0x568] =	vst v0  }
0x58: {  	[tilespmem:$0x578] =	vst v0  }
0x59: {  	[tilespmem:$0x588] =	vst v0  }
0x5a: {  	[tilespmem:$0x598] =	vst v0  }
0x5b: {  	[tilespmem:$0x5A8] =	vst v0  }
0x5c: {  	[tilespmem:$0x5B8] =	vst v0  }
0x5d: {  	[tilespmem:$0x5C8] =	vst v0  }
0x5e: {  	[tilespmem:$0x5D8] =	vst v0  }
0x5f: {  	[tilespmem:$0x5E8] =	vst v0  }
0x60: {  	[tilespmem:$0x5F8] =	vst v0  }
0x61: {  	[tilespmem:$0x608] =	vst v0  }
0x62: {  	[tilespmem:$0x618] =	vst v0  }
0x63: {  	[tilespmem:$0x628] =	vst v0  }
0x64: {  	[tilespmem:$0x638] =	vst v0  }
0x65: {  	[tilespmem:$0x648] =	vst v0  }
0x66: {  	[tilespmem:$0x658] =	vst v0  }
0x67: {  	[tilespmem:$0x668] =	vst v0  }
0x68: {  	[tilespmem:$0x678] =	vst v0  }
0x69: {  	[tilespmem:$0x688] =	vst v0  }
0x6a: {  	[tilespmem:$0x698] =	vst v0  }
0x6b: {  	[tilespmem:$0x6A8] =	vst v0  }
0x6c: {  	[tilespmem:$0x6B8] =	vst v0  }
0x6d: {  	[tilespmem:$0x6C8] =	vst v0  }
0x6e: {  	[tilespmem:$0x6D8] =	vst v0  }
0x6f: {  	[tilespmem:$0x6E8] =	vst v0  }
0x70: {  	[tilespmem:$0x6F8] =	vst v0  }
0x71: {  	[tilespmem:$0x708] =	vst v0  }
0x72: {  	[tilespmem:$0x718] =	vst v0  }
0x73: {  	[tilespmem:$0x728] =	vst v0  }
0x74: {  	[tilespmem:$0x738] =	vst v0  }
0x75: {  	[tilespmem:$0x748] =	vst v0  }
0x76: {  	[tilespmem:$0x758] =	vst v0  }
0x77: {  	[tilespmem:$0x768] =	vst v0  }
0x78: {  	[tilespmem:$0x778] =	vst v0  }
0x79: {  	[tilespmem:$0x788] =	vst v0  }
0x7a: {  	[tilespmem:$0x798] =	vst v0  }
0x7b: {  	[tilespmem:$0x7A8] =	vst v0  }
0x7c: {  	[tilespmem:$0x7B8] =	vst v0  }
0x7d: {  	[tilespmem:$0x7C8] =	vst v0  }
0x7e: {  	[tilespmem:$0x7D8] =	vst v0  }
0x7f: {  	[tilespmem:$0x7E8] =	vst v0  }
0x80: {  	[tilespmem:$0x7F8] =	vst v0  }
0x81: {  	[tilespmem:$0x808] =	vst v0  }
0x82: {  	[tilespmem:$0x818] =	vst v0  }
0x83: {  	[tilespmem:$0x828] =	vst v0  }
0x84: {  	[tilespmem:$0x838] =	vst v0  }
0x85: {  	[tilespmem:$0x848] =	vst v0  }
0x86: {  	[tilespmem:$0x858] =	vst v0  }
0x87: {  	[tilespmem:$0x868] =	vst v0  }
0x88: {  	[tilespmem:$0x878] =	vst v0  }
0x89: {  	[tilespmem:$0x888] =	vst v0  }
0x8a: {  	[tilespmem:$0x898] =	vst v0  }
0x8b: {  	[tilespmem:$0x8A8] =	vst v0  }
0x8c: {  	[tilespmem:$0x8B8] =	vst v0  }
0x8d: {  	[tilespmem:$0x8C8] =	vst v0  }
0x8e: {  	[tilespmem:$0x8D8] =	vst v0  }
0x8f: {  	[tilespmem:$0x8E8] =	vst v0  }
0x90: {  	[tilespmem:$0x8F8] =	vst v0  }
0x91: {  	[tilespmem:$0x908] =	vst v0  }
0x92: {  	[tilespmem:$0x918] =	vst v0  }
0x93: {  	[tilespmem:$0x928] =	vst v0  }
0x94: {  	[tilespmem:$0x938] =	vst v0  }
0x95: {  	[tilespmem:$0x948] =	vst v0  }
0x96: {  	[tilespmem:$0x958] =	vst v0  }
0x97: {  	[tilespmem:$0x968] =	vst v0  }
0x98: {  	[tilespmem:$0x978] =	vst v0  }
0x99: {  	[tilespmem:$0x988] =	vst v0  }
0x9a: {  	[tilespmem:$0x998] =	vst v0  }
0x9b: {  	[tilespmem:$0x9A8] =	vst v0  }
0x9c: {  	[tilespmem:$0x9B8] =	vst v0  }
0x9d: {  	[tilespmem:$0x9C8] =	vst v0  }
0x9e: {  	[tilespmem:$0x9D8] =	vst v0  }
0x9f: {  	[tilespmem:$0x9E8] =	vst v0  }
0xa0: {  	[tilespmem:$0x9F8] =	vst v0  }
0xa1: {  	[tilespmem:$0xA08] =	vst v0  }
0xa2: {  	[tilespmem:$0xA18] =	vst v0  }
0xa3: {  	[tilespmem:$0xA28] =	vst v0  }
0xa4: {  	[tilespmem:$0xA38] =	vst v0  }
0xa5: {  	[tilespmem:$0xA48] =	vst v0  }
0xa6: {  	[tilespmem:$0xA58] =	vst v0  }
0xa7: {  	[tilespmem:$0xA68] =	vst v0  }
0xa8: {  	[tilespmem:$0xA78] =	vst v0  }
0xa9: {  	[tilespmem:$0xA88] =	vst v0  }
0xaa: {  	[tilespmem:$0xA98] =	vst v0  }
0xab: {  	[tilespmem:$0xAA8] =	vst v0  }
0xac: {  	[tilespmem:$0xAB8] =	vst v0  }
0xad: {  	[tilespmem:$0xAC8] =	vst v0  }
0xae: {  	[tilespmem:$0xAD8] =	vst v0  }
0xaf: {  	[tilespmem:$0xAE8] =	vst v0  }
0xb0: {  	[tilespmem:$0xAF8] =	vst v0  }
0xb1: {  	[tilespmem:$0xB08] =	vst v0  }
0xb2: {  	[tilespmem:$0xB18] =	vst v0  }
0xb3: {  	[tilespmem:$0xB28] =	vst v0  }
0xb4: {  	[tilespmem:$0xB38] =	vst v0  }
0xb5: {  	[tilespmem:$0xB48] =	vst v0  }
0xb6: {  	[tilespmem:$0xB58] =	vst v0  }
0xb7: {  	[tilespmem:$0xB68] =	vst v0  }
0xb8: {  	[tilespmem:$0xB78] =	vst v0  }
0xb9: {  	[tilespmem:$0xB88] =	vst v0  }
0xba: {  	[tilespmem:$0xB98] =	vst v0  }
0xbb: {  	[tilespmem:$0xBA8] =	vst v0  }
0xbc: {  	[tilespmem:$0xBB8] =	vst v0  }
0xbd: {  	[tilespmem:$0xBC8] =	vst v0  }
0xbe: {  	[tilespmem:$0xBD8] =	vst v0  }
0xbf: {  	[tilespmem:$0xBE8] =	vst v0  }
0xc0: {  	[tilespmem:$0xBF8] =	vst v0  }
0xc1: {  	[tilespmem:$0xC08] =	vst v0  }
0xc2: {  	[tilespmem:$0xC18] =	vst v0  }
0xc3: {  	[tilespmem:$0xC28] =	vst v0  }
0xc4: {  	[tilespmem:$0xC38] =	vst v0  }
0xc5: {  	[tilespmem:$0xC48] =	vst v0  }
0xc6: {  	[tilespmem:$0xC58] =	vst v0  }
0xc7: {  	[tilespmem:$0xC68] =	vst v0  }
0xc8: {  	[tilespmem:$0xC78] =	vst v0  }
0xc9: {  	[tilespmem:$0xC88] =	vst v0  }
0xca: {  	[tilespmem:$0xC98] =	vst v0  }
0xcb: {  	[tilespmem:$0xCA8] =	vst v0  }
0xcc: {  	[tilespmem:$0xCB8] =	vst v0  }
0xcd: {  	[tilespmem:$0xCC8] =	vst v0  }
0xce: {  	[tilespmem:$0xCD8] =	vst v0  }
0xcf: {  	[tilespmem:$0xCE8] =	vst v0  }
0xd0: {  	[tilespmem:$0xCF8] =	vst v0  }
0xd1: {  	[tilespmem:$0xD08] =	vst v0  }
0xd2: {  	[tilespmem:$0xD18] =	vst v0  }
0xd3: {  	[tilespmem:$0xD28] =	vst v0  }
0xd4: {  	[tilespmem:$0xD38] =	vst v0  }
0xd5: {  	[tilespmem:$0xD48] =	vst v0  }
0xd6: {  	[tilespmem:$0xD58] =	vst v0  }
0xd7: {  	[tilespmem:$0xD68] =	vst v0  }
0xd8: {  	[tilespmem:$0xD78] =	vst v0  }
0xd9: {  	[tilespmem:$0xD88] =	vst v0  }
0xda: {  	[tilespmem:$0xD98] =	vst v0  }
0xdb: {  	[tilespmem:$0xDA8] =	vst v0  }
0xdc: {  	[tilespmem:$0xDB8] =	vst v0  }
0xdd: {  	[tilespmem:$0xDC8] =	vst v0  }
0xde: {  	[tilespmem:$0xDD8] =	vst v0  }
0xdf: {  	[tilespmem:$0xDE8] =	vst v0  }
0xe0: {  	[tilespmem:$0xDF8] =	vst v0  }
0xe1: {  	[tilespmem:$0xE08] =	vst v0  }
0xe2: {  	[tilespmem:$0xE18] =	vst v0  }
0xe3: {  	[tilespmem:$0xE28] =	vst v0  }
0xe4: {  	[tilespmem:$0xE38] =	vst v0  }
0xe5: {  	[tilespmem:$0xE48] =	vst v0  }
0xe6: {  	[tilespmem:$0xE58] =	vst v0  }
0xe7: {  	[tilespmem:$0xE68] =	vst v0  }
0xe8: {  	[tilespmem:$0xE78] =	vst v0  }
0xe9: {  	[tilespmem:$0xE88] =	vst v0  }
0xea: {  	[tilespmem:$0xE98] =	vst v0  }
0xeb: {  	[tilespmem:$0xEA8] =	vst v0  }
0xec: {  	[tilespmem:$0xEB8] =	vst v0  }
0xed: {  	[tilespmem:$0xEC8] =	vst v0  }
0xee: {  	[tilespmem:$0xED8] =	vst v0  }
0xef: {  	[tilespmem:$0xEE8] =	vst v0  }
0xf0: {  	[tilespmem:$0xEF8] =	vst v0  }
0xf1: {  	[tilespmem:$0xF08] =	vst v0  }
0xf2: {  	[tilespmem:$0xF18] =	vst v0  }
0xf3: {  	[tilespmem:$0xF28] =	vst v0  }
0xf4: {  	[tilespmem:$0xF38] =	vst v0  }
0xf5: {  	[tilespmem:$0xF48] =	vst v0  }
0xf6: {  	[tilespmem:$0xF58] =	vst v0  }
0xf7: {  	[tilespmem:$0xF68] =	vst v0  }
0xf8: {  	[tilespmem:$0xF78] =	vst v0  }
0xf9: {  	[tilespmem:$0xF88] =	vst v0  }
0xfa: {  	[tilespmem:$0xF98] =	vst v0  }
0xfb: {  	[tilespmem:$0xFA8] =	vst v0  }
0xfc: {  	[tilespmem:$0xFB8] =	vst v0  }
0xfd: {  	[tilespmem:$0xFC8] =	vst v0  }
0xfe: {  	[tilespmem:$0xFD8] =	vst v0  }
0xff: {  	[tilespmem:$0xFE8] =	vst v0  }
0x100: {  	[tilespmem:$0xFF8] =	vst v0  }
0x101: {  	[tilespmem:$0x1008] =	vst v0  }
0x102: {  	[tilespmem:$0x1018] =	vst v0  }
0x103: {  	[tilespmem:$0x1028] =	vst v0  }
0x104: {  	[tilespmem:$0x1168] =	vst v0  }
0x105: {  	[tilespmem:$0x1038] =	vst v0  }
0x106: {  	[tilespmem:$0x1048] =	vst v0  }
0x107: {  	[tilespmem:$0x1058] =	vst v0  }
0x108: {  	[tilespmem:$0x1068] =	vst v0  }
0x109: {  	[tilespmem:$0x1078] =	vst v0  }
0x10a: {  	[tilespmem:$0x1088] =	vst v0  }
0x10b: {  	[tilespmem:$0x1098] =	vst v0  }
0x10c: {  	[tilespmem:$0x10A8] =	vst v0  }
0x10d: {  	[tilespmem:$0x10B8] =	vst v0  }
0x10e: {  	[tilespmem:$0x10C8] =	vst v0  }
0x10f: {  	[tilespmem:$0x10D8] =	vst v0  }
0x110: {  	[tilespmem:$0x10E8] =	vst v0  }
0x111: {  	[tilespmem:$0x10F8] =	vst v0  }
0x112: {  	[tilespmem:$0x1108] =	vst v0  }
0x113: {  	[tilespmem:$0x1118] =	vst v0  }
0x114: {  	[tilespmem:$0x1128] =	vst v0  }
0x115: {  	[tilespmem:$0x1138] =	vst v0  }
0x116: {  	[tilespmem:$0x1148] =	vst v0  }
0x117: {  	[tilespmem:$0x1158] =	vst v0  }
0x118: {  	[tilespmem:$0x1178] =	vst v0  }
0x119: {  	[tilespmem:$0x1188] =	vst v0  }
0x11a: {  	[tilespmem:$0x1198] =	vst v0  }
0x11b: {  	[tilespmem:$0x11A8] =	vst v0  }
0x11c: {  	[tilespmem:$0x11B8] =	vst v0  }
0x11d: {  	[tilespmem:$0x11C8] =	vst v0  }
0x11e: {  	[tilespmem:$0x11D8] =	vst v0  }
0x11f: {  	[tilespmem:$0x11E8] =	vst v0  }
0x120: {  	[tilespmem:$0x11F8] =	vst v0  }
0x121: {  	[tilespmem:$0x1208] =	vst v0  }
0x122: {  	[tilespmem:$0x1218] =	vst v0  }
0x123: {  	[tilespmem:$0x1228] =	vst v0  }
0x124: {  	[tilespmem:$0x1238] =	vst v0  }
0x125: {  	[tilespmem:$0x1248] =	vst v0  }
0x126: {  	[tilespmem:$0x1258] =	vst v0  }
0x127: {  	[tilespmem:$0x1268] =	vst v0  }
0x128: {  	[tilespmem:$0x1278] =	vst v0  }
0x129: {  	[tilespmem:$0x1288] =	vst v0  }
0x12a: {  	[tilespmem:$0x1298] =	vst v0  }
0x12b: {  	[tilespmem:$0x12A8] =	vst v0  }
0x12c: {  	[tilespmem:$0x12B8] =	vst v0  }
0x12d: {  	[tilespmem:$0x12C8] =	vst v0  }
0x12e: {  	[tilespmem:$0x12D8] =	vst v0  }
0x12f: {  	[tilespmem:$0x12E8] =	vst v0  }
0x130: {  	[tilespmem:$0x12F8] =	vst v0  }
0x131: {  	[tilespmem:$0x1308] =	vst v0  }
0x132: {  	[tilespmem:$0x1318] =	vst v0  }
0x133: {  	[tilespmem:$0x1328] =	vst v0  }
0x134: {  	[tilespmem:$0x1338] =	vst v0  }
0x135: {  	[tilespmem:$0x1348] =	vst v0  }
0x136: {  	[tilespmem:$0x1358] =	vst v0  }
0x137: {  	[tilespmem:$0x1368] =	vst v0  }
0x138: {  	[tilespmem:$0x1378] =	vst v0  }
0x139: {  	[tilespmem:$0x1388] =	vst v0  }
0x13a: {  	[tilespmem:$0x1398] =	vst v0  }
0x13b: {  	[tilespmem:$0x13A8] =	vst v0  }
0x13c: {  	[tilespmem:$0x13B8] =	vst v0  }
0x13d: {  	[tilespmem:$0x13C8] =	vst v0  }
0x13e: {  	[tilespmem:$0x13D8] =	vst v0  }
0x13f: {  	[tilespmem:$0x13E8] =	vst v0  }
0x140: {  	[tilespmem:$0x13F8] =	vst v0  }
0x141: {  	[tilespmem:$0x1408] =	vst v0  }
0x142: {  	[tilespmem:$0x1418] =	vst v0  }
0x143: {  	[tilespmem:$0x1428] =	vst v0  }
0x144: {  	[tilespmem:$0x1438] =	vst v0  }
0x145: {  	[tilespmem:$0x1448] =	vst v0  }
0x146: {  	[tilespmem:$0x1458] =	vst v0  }
0x147: {  	[tilespmem:$0x1468] =	vst v0  }
0x148: {  	[tilespmem:$0x1478] =	vst v0  }
0x149: {  	[tilespmem:$0x1488] =	vst v0  }
0x14a: {  	[tilespmem:$0x1498] =	vst v0  }
0x14b: {  	[tilespmem:$0x14A8] =	vst v0  }
0x14c: {  	[tilespmem:$0x14B8] =	vst v0  }
0x14d: {  	[tilespmem:$0x14C8] =	vst v0  }
0x14e: {  	[tilespmem:$0x14D8] =	vst v0  }
0x14f: {  	[tilespmem:$0x14E8] =	vst v0  }
0x150: {  	[tilespmem:$0x14F8] =	vst v0  }
0x151: {  	[tilespmem:$0x1508] =	vst v0  }
0x152: {  	[tilespmem:$0x1518] =	vst v0  }
0x153: {  	[tilespmem:$0x1528] =	vst v0  }
0x154: {  	[tilespmem:$0x1538] =	vst v0  }
0x155: {  	[tilespmem:$0x1548] =	vst v0  }
0x156: {  	[tilespmem:$0x1558] =	vst v0  }
0x157: {  	[tilespmem:$0x1568] =	vst v0  }
0x158: {  	[tilespmem:$0x1578] =	vst v0  }
0x159: {  	[tilespmem:$0x1588] =	vst v0  }
0x15a: {  	[tilespmem:$0x1598] =	vst v0  }
0x15b: {  	[tilespmem:$0x15A8] =	vst v0  }
0x15c: {  	[tilespmem:$0x15B8] =	vst v0  }
0x15d: {  	[tilespmem:$0x15C8] =	vst v0  }
0x15e: {  	[tilespmem:$0x15D8] =	vst v0  }
0x15f: {  	[tilespmem:$0x15E8] =	vst v0  }
0x160: {  	[tilespmem:$0x15F8] =	vst v0  }
0x161: {  	[tilespmem:$0x1608] =	vst v0  }
0x162: {  	[tilespmem:$0x1618] =	vst v0  }
0x163: {  	[tilespmem:$0x1628] =	vst v0  }
0x164: {  	[tilespmem:$0x1638] =	vst v0  }
0x165: {  	[tilespmem:$0x1648] =	vst v0  }
0x166: {  	[tilespmem:$0x1658] =	vst v0  }
0x167: {  	[tilespmem:$0x1668] =	vst v0  }
0x168: {  	[tilespmem:$0x1678] =	vst v0  }
0x169: {  	[tilespmem:$0x1688] =	vst v0  }
0x16a: {  	[tilespmem:$0x1698] =	vst v0  }
0x16b: {  	[tilespmem:$0x16A8] =	vst v0  }
0x16c: {  	[tilespmem:$0x16B8] =	vst v0  }
0x16d: {  	[tilespmem:$0x16C8] =	vst v0  }
0x16e: {  	[tilespmem:$0x16D8] =	vst v0  }
0x16f: {  	[tilespmem:$0x16E8] =	vst v0  }
0x170: {  	[tilespmem:$0x16F8] =	vst v0  }
0x171: {  	[tilespmem:$0x1708] =	vst v0  }
0x172: {  	[tilespmem:$0x1718] =	vst v0  }
0x173: {  	[tilespmem:$0x1728] =	vst v0  }
0x174: {  	[tilespmem:$0x1738] =	vst v0  }
0x175: {  	[tilespmem:$0x1748] =	vst v0  }
0x176: {  	[tilespmem:$0x1758] =	vst v0  }
0x177: {  	[tilespmem:$0x1768] =	vst v0  }
0x178: {  	[tilespmem:$0x1778] =	vst v0  }
0x179: {  	[tilespmem:$0x1788] =	vst v0  }
0x17a: {  	[tilespmem:$0x1798] =	vst v0  }
0x17b: {  	[tilespmem:$0x17A8] =	vst v0  }
0x17c: {  	[tilespmem:$0x17B8] =	vst v0  }
0x17d: {  	[tilespmem:$0x17C8] =	vst v0  }
0x17e: {  	[tilespmem:$0x17D8] =	vst v0  }
0x17f: {  	[tilespmem:$0x17E8] =	vst v0  }
0x180: {  	[tilespmem:$0x17F8] =	vst v0  }
0x181: {  	[tilespmem:$0x1808] =	vst v0  }
0x182: {  	[tilespmem:$0x1818] =	vst v0  }
0x183: {  	[tilespmem:$0x1828] =	vst v0  }
0x184: {  	[tilespmem:$0x1838] =	vst v0  }
0x185: {  	[tilespmem:$0x1848] =	vst v0  }
0x186: {  	[tilespmem:$0x1858] =	vst v0  }
0x187: {  	[tilespmem:$0x1868] =	vst v0  }
0x188: {  	[tilespmem:$0x1878] =	vst v0  }
0x189: {  	[tilespmem:$0x1888] =	vst v0  }
0x18a: {  	[tilespmem:$0x1898] =	vst v0  }
0x18b: {  	[tilespmem:$0x18A8] =	vst v0  }
0x18c: {  	[tilespmem:$0x18B8] =	vst v0  }
0x18d: {  	[tilespmem:$0x18C8] =	vst v0  }
0x18e: {  	[tilespmem:$0x18D8] =	vst v0  }
0x18f: {  	[tilespmem:$0x18E8] =	vst v0  }
0x190: {  	[tilespmem:$0x18F8] =	vst v0  }
0x191: {  	[tilespmem:$0x1908] =	vst v0  }
0x192: {  	[tilespmem:$0x1918] =	vst v0  }
0x193: {  	[tilespmem:$0x1928] =	vst v0  }
0x194: {  	[tilespmem:$0x1938] =	vst v0  }
0x195: {  	[tilespmem:$0x1948] =	vst v0  }
0x196: {  	[tilespmem:$0x1958] =	vst v0  }
0x197: {  	[tilespmem:$0x1968] =	vst v0  }
0x198: {  	[tilespmem:$0x1978] =	vst v0  }
0x199: {  	[tilespmem:$0x1988] =	vst v0  }
0x19a: {  	[tilespmem:$0x1998] =	vst v0  }
0x19b: {  	[tilespmem:$0x19A8] =	vst v0  }
0x19c: {  	[tilespmem:$0x19B8] =	vst v0  }
0x19d: {  	[tilespmem:$0x19C8] =	vst v0  }
0x19e: {  	[tilespmem:$0x19D8] =	vst v0  }
0x19f: {  	[tilespmem:$0x19E8] =	vst v0  }
0x1a0: {  	[tilespmem:$0x19F8] =	vst v0  }
0x1a1: {  	[tilespmem:$0x1A08] =	vst v0  }
0x1a2: {  	[tilespmem:$0x1A18] =	vst v0  }
0x1a3: {  	[tilespmem:$0x1A28] =	vst v0  }
0x1a4: {  	[tilespmem:$0x1A38] =	vst v0  }
0x1a5: {  	[tilespmem:$0x1A48] =	vst v0  }
0x1a6: {  	[tilespmem:$0x1A58] =	vst v0  }
0x1a7: {  	[tilespmem:$0x1A68] =	vst v0  }
0x1a8: {  	[tilespmem:$0x1A78] =	vst v0  }
0x1a9: {  	[tilespmem:$0x1A88] =	vst v0  }
0x1aa: {  	[tilespmem:$0x1A98] =	vst v0  }
0x1ab: {  	[tilespmem:$0x1AA8] =	vst v0  }
0x1ac: {  	[tilespmem:$0x1AB8] =	vst v0  }
0x1ad: {  	[tilespmem:$0x1AC8] =	vst v0  }
0x1ae: {  	[tilespmem:$0x1AD8] =	vst v0  }
0x1af: {  	[tilespmem:$0x1AE8] =	vst v0  }
0x1b0: {  	[tilespmem:$0x1AF8] =	vst v0  }
0x1b1: {  	[tilespmem:$0x1B08] =	vst v0  }
0x1b2: {  	[tilespmem:$0x1B18] =	vst v0  }
0x1b3: {  	[tilespmem:$0x1B28] =	vst v0  }
0x1b4: {  	[tilespmem:$0x1B38] =	vst v0  }
0x1b5: {  	[tilespmem:$0x1B48] =	vst v0  }
0x1b6: {  	[tilespmem:$0x1B58] =	vst v0  }
0x1b7: {  	[tilespmem:$0x1B68] =	vst v0  }
0x1b8: {  	[tilespmem:$0x1B78] =	vst v0  }
0x1b9: {  	[tilespmem:$0x1B88] =	vst v0  }
0x1ba: {  	[tilespmem:$0x1B98] =	vst v0  }
0x1bb: {  	[tilespmem:$0x1BA8] =	vst v0  }
0x1bc: {  	[tilespmem:$0x1BB8] =	vst v0  }
0x1bd: {  	[tilespmem:$0x1BC8] =	vst v0  }
0x1be: {  	[tilespmem:$0x1BD8] =	vst v0  }
0x1bf: {  	[tilespmem:$0x1BE8] =	vst v0  }
0x1c0: {  	[tilespmem:$0x1BF8] =	vst v0  }
0x1c1: {  	[tilespmem:$0x1C08] =	vst v0  }
0x1c2: {  	[tilespmem:$0x1C18] =	vst v0  }
0x1c3: {  	[tilespmem:$0x1C28] =	vst v0  }
0x1c4: {  	[tilespmem:$0x1C38] =	vst v0  }
0x1c5: {  	[tilespmem:$0x1C48] =	vst v0  }
0x1c6: {  	[tilespmem:$0x1C58] =	vst v0  }
0x1c7: {  	[tilespmem:$0x1C68] =	vst v0  }
0x1c8: {  	[tilespmem:$0x1C78] =	vst v0  }
0x1c9: {  	[tilespmem:$0x1C88] =	vst v0  }
0x1ca: {  	[tilespmem:$0x1C98] =	vst v0  }
0x1cb: {  	[tilespmem:$0x1CA8] =	vst v0  }
0x1cc: {  	[tilespmem:$0x1CB8] =	vst v0  }
0x1cd: {  	[tilespmem:$0x1CC8] =	vst v0  }
0x1ce: {  	[tilespmem:$0x1CD8] =	vst v0  }
0x1cf: {  	[tilespmem:$0x1CE8] =	vst v0  }
0x1d0: {  	[tilespmem:$0x1CF8] =	vst v0  }
0x1d1: {  	[tilespmem:$0x1D08] =	vst v0  }
0x1d2: {  	[tilespmem:$0x1D18] =	vst v0  }
0x1d3: {  	[tilespmem:$0x1D28] =	vst v0  }
0x1d4: {  	[tilespmem:$0x1D38] =	vst v0  }
0x1d5: {  	[tilespmem:$0x1D48] =	vst v0  }
0x1d6: {  	[tilespmem:$0x1D58] =	vst v0  }
0x1d7: {  	[tilespmem:$0x1D68] =	vst v0  }
0x1d8: {  	[tilespmem:$0x1D78] =	vst v0  }
0x1d9: {  	[tilespmem:$0x1D88] =	vst v0  }
0x1da: {  	[tilespmem:$0x1D98] =	vst v0  }
0x1db: {  	[tilespmem:$0x1DA8] =	vst v0  }
0x1dc: {  	[tilespmem:$0x1DB8] =	vst v0  }
0x1dd: {  	[tilespmem:$0x1DC8] =	vst v0  }
0x1de: {  	[tilespmem:$0x1DD8] =	vst v0  }
0x1df: {  	[tilespmem:$0x1DE8] =	vst v0  }
0x1e0: {  	[tilespmem:$0x1DF8] =	vst v0  }
0x1e1: {  	[tilespmem:$0x1E08] =	vst v0  }
0x1e2: {  	[tilespmem:$0x1E18] =	vst v0  }
0x1e3: {  	[tilespmem:$0x1E28] =	vst v0  }
0x1e4: {  	[tilespmem:$0x1E38] =	vst v0  }
0x1e5: {  	[tilespmem:$0x1E48] =	vst v0  }
0x1e6: {  	[tilespmem:$0x1E58] =	vst v0  }
0x1e7: {  	[tilespmem:$0x1E68] =	vst v0  }
0x1e8: {  	[tilespmem:$0x1E78] =	vst v0  }
0x1e9: {  	[tilespmem:$0x1E88] =	vst v0  }
0x1ea: {  	[tilespmem:$0x1E98] =	vst v0  }
0x1eb: {  	[tilespmem:$0x1EA8] =	vst v0  }
0x1ec: {  	[tilespmem:$0x1EB8] =	vst v0  }
0x1ed: {  	[tilespmem:$0x1EC8] =	vst v0  }
0x1ee: {  	[tilespmem:$0x1ED8] =	vst v0  }
0x1ef: {  	[tilespmem:$0x1EE8] =	vst v0  }
0x1f0: {  	[tilespmem:$0x1EF8] =	vst v0  }
0x1f1: {  	[tilespmem:$0x1F08] =	vst v0  }
0x1f2: {  	[tilespmem:$0x1F18] =	vst v0  }
0x1f3: {  	[tilespmem:$0x1F28] =	vst v0  }
0x1f4: {  	[tilespmem:$0x1F38] =	vst v0  }
0x1f5: {  	[tilespmem:$0x1F48] =	vst v0  }
0x1f6: {  	[tilespmem:$0x1F58] =	vst v0  }
0x1f7: {  	[tilespmem:$0x1F68] =	vst v0  }
0x1f8: {  	[tilespmem:$0x1F78] =	vst v0  }
0x1f9: {  	[tilespmem:$0x1F88] =	vst v0  }
0x1fa: {  	[tilespmem:$0x1F98] =	vst v0  }
0x1fb: {  	[tilespmem:$0x1FA8] =	vst v0  }
0x1fc: {  	[tilespmem:$0x1FB8] =	vst v0  }
0x1fd: {  	[tilespmem:$0x1FC8] =	vst v0  }
0x1fe: {  	[tilespmem:$0x1FD8] =	vst v0  }
0x1ff: {  	[tilespmem:$0x1FE8] =	vst v0  }
0x200: {  	[tilespmem:$0x1FF8] =	vst v0  }
0x201: {  	[tilespmem:$0x2008] =	vst v0  }
0x202: {  	[tilespmem:$0x2018] =	vst v0  }
0x203: {  	[tilespmem:$0x2028] =	vst v0  }
0x204: {  	[tilespmem:$0x2038] =	vst v0  }
0x205: {  	[tilespmem:$0x2048] =	vst v0  }
0x206: {  	[tilespmem:$0x2058] =	vst v0  }
0x207: {  	[tilespmem:$0x2068] =	vst v0  }
0x208: {  	[tilespmem:$0x2078] =	vst v0  }
0x209: {  	[tilespmem:$0x2088] =	vst v0  }
0x20a: {  	[tilespmem:$0x2098] =	vst v0  }
0x20b: {  	[tilespmem:$0x20A8] =	vst v0  }
0x20c: {  	[tilespmem:$0x20B8] =	vst v0  }
0x20d: {  	[tilespmem:$0x20C8] =	vst v0  }
0x20e: {  	[tilespmem:$0x20D8] =	vst v0  }
0x20f: {  	[tilespmem:$0x20E8] =	vst v0  }
0x210: {  	[tilespmem:$0x20F8] =	vst v0  }
0x211: {  	[tilespmem:$0x2108] =	vst v0  }
0x212: {  	[tilespmem:$0x2118] =	vst v0  }
0x213: {  	[tilespmem:$0x2128] =	vst v0  }
0x214: {  	[tilespmem:$0x2138] =	vst v0  }
0x215: {  	[tilespmem:$0x2148] =	vst v0  }
0x216: {  	[tilespmem:$0x2158] =	vst v0  }
0x217: {  	[tilespmem:$0x2168] =	vst v0  }
0x218: {  	[tilespmem:$0x2218] =	vst v0  }
0x219: {  	[tilespmem:$0x3058] =	vst v0  }
0x21a: {  	[tilespmem:$0x21A8] =	vst v0  }
0x21b: {  	[tilespmem:$0x3048] =	vst v0  }
0x21c: {  	[tilespmem:$0x3038] =	vst v0  }
0x21d: {  	[tilespmem:$0x3028] =	vst v0  }
0x21e: {  	[tilespmem:$0x3018] =	vst v0  }
0x21f: {  	[tilespmem:$0x3008] =	vst v0  }
0x220: {  	[tilespmem:$0x2FF8] =	vst v0  }
0x221: {  	[tilespmem:$0x2FE8] =	vst v0  }
0x222: {  	[tilespmem:$0x2FD8] =	vst v0  }
0x223: {  	[tilespmem:$0x2FC8] =	vst v0  }
0x224: {  	[tilespmem:$0x2FB8] =	vst v0  }
0x225: {  	[tilespmem:$0x2FA8] =	vst v0  }
0x226: {  	[tilespmem:$0x2F98] =	vst v0  }
0x227: {  	[tilespmem:$0x2F88] =	vst v0  }
0x228: {  	[tilespmem:$0x2F78] =	vst v0  }
0x229: {  	[tilespmem:$0x2F68] =	vst v0  }
0x22a: {  	[tilespmem:$0x2F58] =	vst v0  }
0x22b: {  	[tilespmem:$0x2F48] =	vst v0  }
0x22c: {  	[tilespmem:$0x2F38] =	vst v0  }
0x22d: {  	[tilespmem:$0x2F28] =	vst v0  }
0x22e: {  	[tilespmem:$0x2F18] =	vst v0  }
0x22f: {  	[tilespmem:$0x2F08] =	vst v0  }
0x230: {  	[tilespmem:$0x2EF8] =	vst v0  }
0x231: {  	[tilespmem:$0x2EE8] =	vst v0  }
0x232: {  	[tilespmem:$0x2ED8] =	vst v0  }
0x233: {  	[tilespmem:$0x2EC8] =	vst v0  }
0x234: {  	[tilespmem:$0x2EB8] =	vst v0  }
0x235: {  	[tilespmem:$0x2EA8] =	vst v0  }
0x236: {  	[tilespmem:$0x2E98] =	vst v0  }
0x237: {  	[tilespmem:$0x2E88] =	vst v0  }
0x238: {  	[tilespmem:$0x2E78] =	vst v0  }
0x239: {  	[tilespmem:$0x2E68] =	vst v0  }
0x23a: {  	[tilespmem:$0x2E58] =	vst v0  }
0x23b: {  	[tilespmem:$0x2E48] =	vst v0  }
0x23c: {  	[tilespmem:$0x2E38] =	vst v0  }
0x23d: {  	[tilespmem:$0x2E28] =	vst v0  }
0x23e: {  	[tilespmem:$0x2E18] =	vst v0  }
0x23f: {  	[tilespmem:$0x2E08] =	vst v0  }
0x240: {  	[tilespmem:$0x2DF8] =	vst v0  }
0x241: {  	[tilespmem:$0x2DE8] =	vst v0  }
0x242: {  	[tilespmem:$0x2DD8] =	vst v0  }
0x243: {  	[tilespmem:$0x2DC8] =	vst v0  }
0x244: {  	[tilespmem:$0x2DB8] =	vst v0  }
0x245: {  	[tilespmem:$0x2DA8] =	vst v0  }
0x246: {  	[tilespmem:$0x2D98] =	vst v0  }
0x247: {  	[tilespmem:$0x2D88] =	vst v0  }
0x248: {  	[tilespmem:$0x2D78] =	vst v0  }
0x249: {  	[tilespmem:$0x2D68] =	vst v0  }
0x24a: {  	[tilespmem:$0x2D58] =	vst v0  }
0x24b: {  	[tilespmem:$0x2D48] =	vst v0  }
0x24c: {  	[tilespmem:$0x2D38] =	vst v0  }
0x24d: {  	[tilespmem:$0x2D28] =	vst v0  }
0x24e: {  	[tilespmem:$0x2D18] =	vst v0  }
0x24f: {  	[tilespmem:$0x2D08] =	vst v0  }
0x250: {  	[tilespmem:$0x2CF8] =	vst v0  }
0x251: {  	[tilespmem:$0x2CE8] =	vst v0  }
0x252: {  	[tilespmem:$0x2CD8] =	vst v0  }
0x253: {  	[tilespmem:$0x2CC8] =	vst v0  }
0x254: {  	[tilespmem:$0x2CB8] =	vst v0  }
0x255: {  	[tilespmem:$0x2CA8] =	vst v0  }
0x256: {  	[tilespmem:$0x2C98] =	vst v0  }
0x257: {  	[tilespmem:$0x2C88] =	vst v0  }
0x258: {  	[tilespmem:$0x2C78] =	vst v0  }
0x259: {  	[tilespmem:$0x2C68] =	vst v0  }
0x25a: {  	[tilespmem:$0x2C58] =	vst v0  }
0x25b: {  	[tilespmem:$0x2C48] =	vst v0  }
0x25c: {  	[tilespmem:$0x2C38] =	vst v0  }
0x25d: {  	[tilespmem:$0x2C28] =	vst v0  }
0x25e: {  	[tilespmem:$0x2C18] =	vst v0  }
0x25f: {  	[tilespmem:$0x2C08] =	vst v0  }
0x260: {  	[tilespmem:$0x2BF8] =	vst v0  }
0x261: {  	[tilespmem:$0x2BE8] =	vst v0  }
0x262: {  	[tilespmem:$0x2BD8] =	vst v0  }
0x263: {  	[tilespmem:$0x2BC8] =	vst v0  }
0x264: {  	[tilespmem:$0x2BB8] =	vst v0  }
0x265: {  	[tilespmem:$0x2BA8] =	vst v0  }
0x266: {  	[tilespmem:$0x2B98] =	vst v0  }
0x267: {  	[tilespmem:$0x2B88] =	vst v0  }
0x268: {  	[tilespmem:$0x2B78] =	vst v0  }
0x269: {  	[tilespmem:$0x2B68] =	vst v0  }
0x26a: {  	[tilespmem:$0x2B58] =	vst v0  }
0x26b: {  	[tilespmem:$0x2B48] =	vst v0  }
0x26c: {  	[tilespmem:$0x2B38] =	vst v0  }
0x26d: {  	[tilespmem:$0x2B28] =	vst v0  }
0x26e: {  	[tilespmem:$0x2B18] =	vst v0  }
0x26f: {  	[tilespmem:$0x2B08] =	vst v0  }
0x270: {  	[tilespmem:$0x2AF8] =	vst v0  }
0x271: {  	[tilespmem:$0x2AE8] =	vst v0  }
0x272: {  	[tilespmem:$0x2AD8] =	vst v0  }
0x273: {  	[tilespmem:$0x2AC8] =	vst v0  }
0x274: {  	[tilespmem:$0x2AB8] =	vst v0  }
0x275: {  	[tilespmem:$0x2AA8] =	vst v0  }
0x276: {  	[tilespmem:$0x2A98] =	vst v0  }
0x277: {  	[tilespmem:$0x2A88] =	vst v0  }
0x278: {  	[tilespmem:$0x2A78] =	vst v0  }
0x279: {  	[tilespmem:$0x2A68] =	vst v0  }
0x27a: {  	[tilespmem:$0x2A58] =	vst v0  }
0x27b: {  	[tilespmem:$0x2A48] =	vst v0  }
0x27c: {  	[tilespmem:$0x2A38] =	vst v0  }
0x27d: {  	[tilespmem:$0x2A28] =	vst v0  }
0x27e: {  	[tilespmem:$0x2A18] =	vst v0  }
0x27f: {  	[tilespmem:$0x2A08] =	vst v0  }
0x280: {  	[tilespmem:$0x29F8] =	vst v0  }
0x281: {  	[tilespmem:$0x29E8] =	vst v0  }
0x282: {  	[tilespmem:$0x29D8] =	vst v0  }
0x283: {  	[tilespmem:$0x29C8] =	vst v0  }
0x284: {  	[tilespmem:$0x29B8] =	vst v0  }
0x285: {  	[tilespmem:$0x29A8] =	vst v0  }
0x286: {  	[tilespmem:$0x2998] =	vst v0  }
0x287: {  	[tilespmem:$0x2988] =	vst v0  }
0x288: {  	[tilespmem:$0x2978] =	vst v0  }
0x289: {  	[tilespmem:$0x2968] =	vst v0  }
0x28a: {  	[tilespmem:$0x2958] =	vst v0  }
0x28b: {  	[tilespmem:$0x2948] =	vst v0  }
0x28c: {  	[tilespmem:$0x2938] =	vst v0  }
0x28d: {  	[tilespmem:$0x2928] =	vst v0  }
0x28e: {  	[tilespmem:$0x2918] =	vst v0  }
0x28f: {  	[tilespmem:$0x2908] =	vst v0  }
0x290: {  	[tilespmem:$0x28F8] =	vst v0  }
0x291: {  	[tilespmem:$0x28E8] =	vst v0  }
0x292: {  	[tilespmem:$0x28D8] =	vst v0  }
0x293: {  	[tilespmem:$0x28C8] =	vst v0  }
0x294: {  	[tilespmem:$0x28B8] =	vst v0  }
0x295: {  	[tilespmem:$0x28A8] =	vst v0  }
0x296: {  	[tilespmem:$0x2898] =	vst v0  }
0x297: {  	[tilespmem:$0x2888] =	vst v0  }
0x298: {  	[tilespmem:$0x2878] =	vst v0  }
0x299: {  	[tilespmem:$0x2868] =	vst v0  }
0x29a: {  	[tilespmem:$0x2858] =	vst v0  }
0x29b: {  	[tilespmem:$0x2848] =	vst v0  }
0x29c: {  	[tilespmem:$0x2838] =	vst v0  }
0x29d: {  	[tilespmem:$0x2828] =	vst v0  }
0x29e: {  	[tilespmem:$0x2818] =	vst v0  }
0x29f: {  	[tilespmem:$0x2808] =	vst v0  }
0x2a0: {  	[tilespmem:$0x27F8] =	vst v0  }
0x2a1: {  	[tilespmem:$0x27E8] =	vst v0  }
0x2a2: {  	[tilespmem:$0x27D8] =	vst v0  }
0x2a3: {  	[tilespmem:$0x27C8] =	vst v0  }
0x2a4: {  	[tilespmem:$0x27B8] =	vst v0  }
0x2a5: {  	[tilespmem:$0x27A8] =	vst v0  }
0x2a6: {  	[tilespmem:$0x2798] =	vst v0  }
0x2a7: {  	[tilespmem:$0x2788] =	vst v0  }
0x2a8: {  	[tilespmem:$0x2778] =	vst v0  }
0x2a9: {  	[tilespmem:$0x2768] =	vst v0  }
0x2aa: {  	[tilespmem:$0x2758] =	vst v0  }
0x2ab: {  	[tilespmem:$0x2748] =	vst v0  }
0x2ac: {  	[tilespmem:$0x2738] =	vst v0  }
0x2ad: {  	[tilespmem:$0x2728] =	vst v0  }
0x2ae: {  	[tilespmem:$0x2718] =	vst v0  }
0x2af: {  	[tilespmem:$0x2708] =	vst v0  }
0x2b0: {  	[tilespmem:$0x26F8] =	vst v0  }
0x2b1: {  	[tilespmem:$0x26E8] =	vst v0  }
0x2b2: {  	[tilespmem:$0x26D8] =	vst v0  }
0x2b3: {  	[tilespmem:$0x26C8] =	vst v0  }
0x2b4: {  	[tilespmem:$0x26B8] =	vst v0  }
0x2b5: {  	[tilespmem:$0x26A8] =	vst v0  }
0x2b6: {  	[tilespmem:$0x2698] =	vst v0  }
0x2b7: {  	[tilespmem:$0x2688] =	vst v0  }
0x2b8: {  	[tilespmem:$0x2678] =	vst v0  }
0x2b9: {  	[tilespmem:$0x2668] =	vst v0  }
0x2ba: {  	[tilespmem:$0x2658] =	vst v0  }
0x2bb: {  	[tilespmem:$0x2648] =	vst v0  }
0x2bc: {  	[tilespmem:$0x2638] =	vst v0  }
0x2bd: {  	[tilespmem:$0x2628] =	vst v0  }
0x2be: {  	[tilespmem:$0x2618] =	vst v0  }
0x2bf: {  	[tilespmem:$0x2608] =	vst v0  }
0x2c0: {  	[tilespmem:$0x25F8] =	vst v0  }
0x2c1: {  	[tilespmem:$0x25E8] =	vst v0  }
0x2c2: {  	[tilespmem:$0x25D8] =	vst v0  }
0x2c3: {  	[tilespmem:$0x25C8] =	vst v0  }
0x2c4: {  	[tilespmem:$0x25B8] =	vst v0  }
0x2c5: {  	[tilespmem:$0x25A8] =	vst v0  }
0x2c6: {  	[tilespmem:$0x2598] =	vst v0  }
0x2c7: {  	[tilespmem:$0x2588] =	vst v0  }
0x2c8: {  	[tilespmem:$0x2578] =	vst v0  }
0x2c9: {  	[tilespmem:$0x2568] =	vst v0  }
0x2ca: {  	[tilespmem:$0x2558] =	vst v0  }
0x2cb: {  	[tilespmem:$0x2548] =	vst v0  }
0x2cc: {  	[tilespmem:$0x2538] =	vst v0  }
0x2cd: {  	[tilespmem:$0x2528] =	vst v0  }
0x2ce: {  	[tilespmem:$0x2518] =	vst v0  }
0x2cf: {  	[tilespmem:$0x2508] =	vst v0  }
0x2d0: {  	[tilespmem:$0x24F8] =	vst v0  }
0x2d1: {  	[tilespmem:$0x24E8] =	vst v0  }
0x2d2: {  	[tilespmem:$0x24D8] =	vst v0  }
0x2d3: {  	[tilespmem:$0x24C8] =	vst v0  }
0x2d4: {  	[tilespmem:$0x24B8] =	vst v0  }
0x2d5: {  	[tilespmem:$0x24A8] =	vst v0  }
0x2d6: {  	[tilespmem:$0x2498] =	vst v0  }
0x2d7: {  	[tilespmem:$0x2488] =	vst v0  }
0x2d8: {  	[tilespmem:$0x2478] =	vst v0  }
0x2d9: {  	[tilespmem:$0x2468] =	vst v0  }
0x2da: {  	[tilespmem:$0x2458] =	vst v0  }
0x2db: {  	[tilespmem:$0x2448] =	vst v0  }
0x2dc: {  	[tilespmem:$0x2438] =	vst v0  }
0x2dd: {  	[tilespmem:$0x2428] =	vst v0  }
0x2de: {  	[tilespmem:$0x2418] =	vst v0  }
0x2df: {  	[tilespmem:$0x2408] =	vst v0  }
0x2e0: {  	[tilespmem:$0x23F8] =	vst v0  }
0x2e1: {  	[tilespmem:$0x23E8] =	vst v0  }
0x2e2: {  	[tilespmem:$0x23D8] =	vst v0  }
0x2e3: {  	[tilespmem:$0x23C8] =	vst v0  }
0x2e4: {  	[tilespmem:$0x23B8] =	vst v0  }
0x2e5: {  	[tilespmem:$0x23A8] =	vst v0  }
0x2e6: {  	[tilespmem:$0x2398] =	vst v0  }
0x2e7: {  	[tilespmem:$0x2388] =	vst v0  }
0x2e8: {  	[tilespmem:$0x2378] =	vst v0  }
0x2e9: {  	[tilespmem:$0x2368] =	vst v0  }
0x2ea: {  	[tilespmem:$0x2358] =	vst v0  }
0x2eb: {  	[tilespmem:$0x2348] =	vst v0  }
0x2ec: {  	[tilespmem:$0x2338] =	vst v0  }
0x2ed: {  	[tilespmem:$0x2328] =	vst v0  }
0x2ee: {  	[tilespmem:$0x2318] =	vst v0  }
0x2ef: {  	[tilespmem:$0x2308] =	vst v0  }
0x2f0: {  	[tilespmem:$0x22F8] =	vst v0  }
0x2f1: {  	[tilespmem:$0x22E8] =	vst v0  }
0x2f2: {  	[tilespmem:$0x22D8] =	vst v0  }
0x2f3: {  	[tilespmem:$0x22C8] =	vst v0  }
0x2f4: {  	[tilespmem:$0x22B8] =	vst v0  }
0x2f5: {  	[tilespmem:$0x22A8] =	vst v0  }
0x2f6: {  	[tilespmem:$0x2298] =	vst v0  }
0x2f7: {  	[tilespmem:$0x2288] =	vst v0  }
0x2f8: {  	s11 =	stileid.u32;
	[tilespmem:$0x2278] =	vst v0  }
0x2f9: {  	s0 =	smul.u32 $0x18, s11;
	[tilespmem:$0x2268] =	vst v0  }
0x2fa: {  	s1 =	smin.u32 s11, $0xB;
	[tilespmem:$0x2258] =	vst v0  }
0x2fb: {  	[tilespmem:$0x2248] =	vst v0;
	s0 =	sadd.s32 s1, s0  }
0x2fc: {  	p0 =	slt.u32 s11, $0xB;
	[tilespmem:$0x2238] =	vst v0;
	s1 =	simm.s32 $0x2580;
	s9 =	smul.u32 $0x180, s0  }
0x2fd: {  	s1 =	simm.s32 @!p0 $0x2400;
	[tilespmem:$0x2228] =	vst v0  }
0x2fe: {  	[tilespmem:$0x21F8] =	vst v0;
	s0 =	sadd.s32 s1, s9  }
0x2ff: {  	[tilespmem:$0x2208] =	vst v0;
	s10 =	smin.u32 s0, $0x25000  }
0x300: {  	s5 =	simm.s32 $0x2;
	s29 =	simm.s32 $0x9;
	[tilespmem:$0x21E8] =	vst v0;
	s0 =	ssub.s32 s10, s9  }
0x301: {  	s30 =	simm.s32 $0xA;
	s13 =	simm.s32 $0xB;
	[tilespmem:$0x2188] =	vst v0;
	p0 =	sgt.s32 s0, $0x0  }
0x302: {  	s18 =	simm.s32 $0x0;
	p1 =	por $0x0, $0x0;
	[tilespmem:$0x21D8] =	vst v0;
	s0 =	simm.s32 @!p0 $0x0  }
0x303: {  	s19 =	simm.s32 $0xC;
	s23 =	simm.s32 $0x0;
	[tilespmem:$0x21C8] =	vst v0;
	s28 =	smulhi.u32 $0x2AAAAAAB, s0  }
0x304: {  	s20 =	simm.s32 $0x0;
	s22 =	simm.s32 $0x0;
	s7 =	sand.u32 $0x1, s2;
	[tilespmem:$0x21B8] =	vst v0  }
0x305: {  	[dreg:$0x5] =	wrdreg s7;
	s7 =	smul.u32 $0x4A00, s7;
	[tilespmem:$0x2198] =	vst v0;
	s1 =	sshrl.u32 s28, $0x6  }
0x306: {  	s16 =	sshll.u32 s11, $0x6;
	[tilespmem:$0x2178] =	vst v0;
	[sflag:s5] =	ssyncpa.u1 $0x0;
	v0 =	vimm.s32 $0xFFFFFFFF;
	s6 =	smul.u32 $0x180, s1  }
.Ltmp0:
0x307: {  	s5 =	sadd.s32 $0x13AE00, s8;
	[tilespmem:$0x6088] =	vst v0;
	[sflag:s29] =	ssyncpa.u1 $0x0;
	(pc) =	sbr.rel .LBB2_1-.Ltmp0, $4  }
0x308: {  	[sflag:s30] =	ssyncpa.u1 $0x0;
	p0 =	sne.s32 s0, s6;
	s0 =	simm.s32 $0x1  }
0x309: {  	s31 =	sadd.s32 s7, s8;
	[sflag:s13] =	ssyncpa.u1 $0x0;
	s0 =	simm.s32 @!p0 $0x0  }
0x30a: {  	s14 =	sadd.s32 $0x131A00, s31;
	s15 =	sadd.s32 $0x600, s31;
	s8 =	sadd.s32 s0, s1  }
0x30b: {  	v0 =	vlaneseq.u32;
	s21 =	smov.u32 s9;
	p0 =	por $0x1, $0x1;
	s17 =	sadd.s32 $0x1, s8  }
.LBB2_22:
0x30c: {  	s0 =	sshrl.u32 s0, $0x2  }
.LBB2_24:
0x30d: {  	_ =	swait.ge [sflag:s19], s0  }
0x30e: {  	s30 =	ssub.s32 $0x0, s0;
	v1 =	vmov s25;
	vm0 =	veq.s32 v0, $0x0;
	[sflag:s19] =	ssyncset.done $0x0  }
0x30f: {  	vm15 =	veq.s32 v0, $0x2;
	v1 =	vsel vm0, s31, v1;
	[sflag:s19] =	ssyncadd.s32 s30  }
0x310: {  	v1 =	vsel vm15, s23, v1;
	[sflag:s19] =	ssyncpa.u1 $0x1  }
0x311: {  	[tilespmem:$0x6088] =	vst v1  }
.LBB2_25:
0x312: {  	s0 =	sadd.s32 $0x180, s21  }
0x313: {  	s1 =	smov.u32 s9;
	p2 =	slt.s32 s0, s10  }
0x314: {  	s1 =	smov.u32 @p2 s0;
	p2 =	sne.s32 s22, s17  }
.Ltmp1:
0x315: {  	_ = 	snop;
	(pc) =	sbr.rel @!p2 .LBB2_26-.Ltmp1, $4  }
0x316: {  	_ = 	snop  }
0x317: {  	s23 =	smov.u32 s20  }
0x318: {  	s31 =	sadd.s32 $0x1, s22;
	s20 =	smov.u32 s21;
	p0 =	por !p0, !p0  }
0x319: {  	p1 =	por !p1, !p1;
	s22 =	smov.u32 s31;
	s21 =	smov.u32 s1  }
.LBB2_1:
0x31a: {  	p2 =	sge.u32 s22, s8  }
0x31b: {  	s0 =	smulhi.u32 @!p2 $0xAAAAAAAB, s22  }
0x31c: {  	s1 =	smov.u32 s21;
	p3 =	sgt.s32 @!p2 s21, $0x24E80  }
0x31d: {  	s2 =	sshra.s32 @!p2 s21, $0x1F;
	p3 =	por !p3, p2;
	s0 =	sshrl.u32 @!p2 s0, $0x1  }
0x31e: {  	s2 =	sand.u32 @!p2 s2, s21;
	s1 =	simm.s32 @p3 $0x24E80;
	s0 =	smul.u32 @!p2 $0x3, s0  }
0x31f: {  	s1 =	ssub.s32 @!p2 s1, s2  }
0x320: {  	s1 =	sadd.s32 @!p2 $0xFFFDB180, s1;
	s0 =	ssub.s32 @!p2 s22, s0  }
0x321: {  	s2 =	sshll.u32 @!p2 s1, $0x2;
	p3 =	sgt.s32 @!p2 s1, $0x17F;
	s0 =	smul.u32 @!p2 $0x600, s0  }
0x322: {  	s6 =	sand.u32 @!p2 $0x7, s21;
	s1 =	ssub.s32 @!p2 $0x600, s2;
	p3 =	por !p3, p2  }
0x323: {  	s2 =	sshrl.u32 @!p2 s21, $0x3;
	s1 =	sshrl.u32 @!p2 s1, $0x2;
	s0 =	sshrl.u32 @!p2 s0, $0x2  }
0x324: {  	s2 =	sadd.s32 @!p2 s2, s14;
	s1 =	simm.s32 @!p3 $0x0;
	s0 =	sadd.s32 @!p2 $0x64C8, s0  }
0x325: {  	[tilespmem:s0], [sflag:$0xA] =	stream.linear.gather @!p2 [hbm4b:s2+s6], s1, $0x38;
	[tilespmem:$0x1EC48] =	vst v63  }
0x326: {  	s1 =	sadd.s32 $0xFFFFFFFF, s22  }
0x327: {  	p2 =	sge.u32 s1, s8  }
0x328: {  	p3 =	sgt.s32 @!p2 s20, $0x24E80  }
0x329: {  	s0 =	smov.u32 s20;
	s2 =	sshra.s32 @!p2 s20, $0x1F;
	p3 =	por !p3, p2  }
0x32a: {  	s2 =	sand.u32 @!p2 s2, s20;
	s0 =	simm.s32 @p3 $0x24E80  }
0x32b: {  	s0 =	ssub.s32 @!p2 s0, s2  }
0x32c: {  	s0 =	sadd.s32 @!p2 $0xFFFDB180, s0  }
0x32d: {  	s2 =	sshll.u32 @!p2 s0, $0x2  }
0x32e: {  	p3 =	sgt.s32 @!p2 s0, $0x17F;
	s0 =	ssub.s32 @!p2 $0x600, s2  }
0x32f: {  	p3 =	por !p3, p2;
	s0 =	sshrl.u32 @!p2 s0, $0x2  }
0x330: {  	s6 =	simm.s32 @!p2 $0xA;
	s2 =	sand.u32 @!p2 $0x1, s1;
	s0 =	simm.s32 @!p3 $0x0  }
0x331: {  	s2 =	smul.u32 @!p2 $0x600, s2;
	_ =	swait.ge @!p2 [sflag:s6], s0  }
0x332: {  	s7 =	ssub.s32 @!p2 $0x0, s0;
	[sflag:s6] =	ssyncset.done @!p2 $0x0  }
0x333: {  	s2 =	sshrl.u32 @!p2 s2, $0x2;
	[sflag:s6] =	ssyncadd.s32 @!p2 s7;
	s6 =	sshrl.u32 @!p2 s20, $0x3  }
0x334: {  	s2 =	sadd.s32 @!p2 $0x6948, s2;
	s7 =	sand.u32 @!p2 $0x7, s20;
	s6 =	sadd.s32 @!p2 s6, s15  }
0x335: {  	[tilespmem:s2], [sflag:$0xB] =	stream.linear.gather @!p2 [hbm4b:s6+s7], s0, $0x38;
	[tilespmem:$0x1EC48] =	vst v63  }
0x336: {  	s0 =	ssub.s32 @!p2 $0x25000, s20  }
0x337: {  	p3 =	slt.s32 @!p2 s0, $0x1  }
0x338: {  	p3 =	por p2, p3  }
.Ltmp2:
0x339: {  	_ = 	snop;
	(pc) =	sbr.rel @p3 .LBB2_7-.Ltmp2, $1  }
0x33a: {  	_ =	sdelay $0x3  }
0x33b: {  	s2 =	smulhi.u32 $0xAAAAAAAB, s1;
	_ =	sdelay $0x1  }
0x33c: {  	s2 =	sshrl.u32 s2, $0x1  }
0x33d: {  	s2 =	smul.u32 $0x3, s2;
	_ =	sdelay $0x1  }
0x33e: {  	s29 =	ssub.s32 s1, s2  }
0x33f: {  	s6 =	simm.s32 $0x1;
	s1 =	smul.u32 $0x600, s29  }
.Ltmp3:
0x340: {  	s6 =	simm.s32 @!p0 $0x0;
	(pc) =	sbr.rel .LBB2_4-.Ltmp3, $4  }
0x341: {  	s30 =	smul.u32 $0x30000, s6  }
0x342: {  	p3 =	slt.s32 @!p2 s0, $0x180;
	s1 =	sshrl.u32 s1, $0x2  }
0x343: {  	p2 =	por !p3, p2;
	s2 =	sshrl.u32 s30, $0x2;
	s31 =	sadd.s32 $0x64C8, s1  }
0x344: {  	s24 =	simm.s32 $0x0;
	s0 =	simm.s32 @p2 $0x180;
	s1 =	sadd.s32 $0x6C48, s2;
	v1 =	vmov s31  }
.LBB2_3:
0x345: {  	p2 =	sge.s32 s24, s0  }
.Ltmp4:
0x346: {  	_ = 	snop;
	(pc) =	sbr.rel @p2 .LBB2_7-.Ltmp4, $2  }
0x347: {  	_ =	sdelay $0x2  }
0x348: {  	s1 =	sadd.s32 $0x800, s1  }
.LBB2_4:
0x349: {  	p2 =	sle.s32 s0, s24  }
.Ltmp5:
0x34a: {  	_ = 	snop;
	(pc) =	sbr.rel @p2 .LBB2_3-.Ltmp5, $2  }
0x34b: {  	_ =	sdelay $0x2  }
0x34c: {  	s2 =	smov.u32 s24;
	s24 =	sadd.s32 $0x10, s24  }
0x34d: {  	s6 =	ssub.s32 s0, s2  }
0x34e: {  	p2 =	slt.s32 s6, $0x10  }
0x34f: {  	s6 =	simm.s32 @!p2 $0x10  }
0x350: {  	v2 =	vmov s6  }
0x351: {  	vm0 =	vgt.s32 v2, v0;
	_ =	sdelay $0x5  }
0x352: {  	v2 =	vld.idx.msk [tilespmem:v1+s2+$0x0 ss:$0x1], vm0;
	_ =	sdelay $0x2  }
0x353: {  	s7 =	smov.u32 s0;
	p2 =	slt.s32 s24, s0  }
0x354: {  	s25 =	simm.s32 $0x0;
	s7 =	smov.u32 @p2 s24;
	s6 =	smov.u32 s1  }
.LBB2_6:
0x355: {  	(v2sf) =	vpush v2, s25;
	_ =	sdelay $0xc  }
0x356: {  	s25 =	sadd.s32 $0x1, s25  }
0x357: {  	s31 =	sadd.s32 s25, s2  }
0x358: {  	p2 =	slt.s32 s31, s7;
	s11 =	spop (v2sf)  }
.Ltmp6:
0x359: {  	s11 =	sshll.u32 s11, $0x4;
	(pc) =	sbr.rel @p2 .LBB2_6-.Ltmp6, $4  }
0x35a: {  	s11 =	sand.u32 $0x1FFFFFF0, s11  }
0x35b: {  	s11 =	sadd.s32 s3, s11  }
0x35c: {  	[tilespmem:s6], [sflag:$0x9] =	stream.linear.gather [hbm4b:s11+s18], $0x20, $0x38;
	[tilespmem:$0x1EC48] =	vst v63  }
0x35d: {  	s6 =	sadd.s32 $0x80, s6  }
.Ltmp7:
0x35e: {  	_ = 	snop;
	(pc) =	sbr.rel .LBB2_3-.Ltmp7, $1  }
0x35f: {  	_ =	sdelay $0x3  }
.LBB2_7:
0x360: {  	p2 =	slt.u32 s22, $0x2  }
.Ltmp8:
0x361: {  	_ = 	snop;
	(pc) =	sbr.rel @p2 .LBB2_25-.Ltmp8, $1  }
0x362: {  	_ =	sdelay $0x3  }
0x363: {  	p2 =	sgt.s32 s23, $0x24E80  }
0x364: {  	s0 =	smov.u32 s23;
	s1 =	sshra.s32 s23, $0x1F;
	s2 =	ssub.s32 $0x25000, s23  }
0x365: {  	s0 =	simm.s32 @!p2 $0x24E80;
	s1 =	sand.u32 s1, s23;
	p2 =	slt.s32 s2, $0x180  }
0x366: {  	s0 =	ssub.s32 s0, s1;
	s2 =	simm.s32 @!p2 $0x180  }
0x367: {  	s0 =	sadd.s32 $0xFFFDB180, s0;
	s12 =	sshll.u32 s2, $0x5  }
0x368: {  	s26 =	simm.s32 $0x9;
	s24 =	sshll.u32 s0, $0x2;
	s1 =	sand.u32 $0x3FFFFFE0, s12  }
0x369: {  	p2 =	sgt.s32 s0, $0x17F;
	s25 =	ssub.s32 $0x600, s24;
	_ =	swait.ge [sflag:s26], s1  }
0x36a: {  	s1 =	ssub.s32 $0x0, s1;
	[sflag:s26] =	ssyncset.done $0x0;
	s0 =	sshrl.u32 s25, $0x2  }
0x36b: {  	[sflag:s26] =	ssyncadd.s32 s1;
	s0 =	simm.s32 @p2 $0x0  }
0x36c: {  	_ =	swait.ge [sflag:s13], s0  }
0x36d: {  	s0 =	ssub.s32 $0x0, s0;
	[sflag:s13] =	ssyncset.done $0x0  }
0x36e: {  	[sflag:s13] =	ssyncadd.s32 s0  }
0x36f: {  	v1 =	vld [tilespmem:$0x6088];
	_ =	sdelay $0x4  }
0x370: {  	(v2sf) =	vpush v1, $0x0  }
0x371: {  	(v2sf) =	vpush v1, $0x1  }
0x372: {  	(v2sf) =	vpush v1, $0x2;
	_ =	sdelay $0x3  }
0x373: {  	s0 =	sadd.s32 $0x180, s23  }
0x374: {  	s1 =	ssub.s32 $0x4A000, s23;
	p2 =	slt.s32 s10, s0  }
0x375: {  	s0 =	smov.u32 @p2 s10;
	p2 =	sgt.s32 s1, $0x0  }
0x376: {  	s28 =	ssub.s32 s0, s23;
	s1 =	simm.s32 @!p2 $0x0  }
0x377: {  	p2 =	slt.s32 s1, s28  }
0x378: {  	s28 =	smov.u32 @p2 s1  }
0x379: {  	s26 =	simm.s32 $0x1;
	p2 =	slt.s32 s28, $0x1  }
.Ltmp9:
0x37a: {  	s26 =	simm.s32 @!p1 $0x0;
	(pc) =	sbr.rel @p2 .LBB2_12-.Ltmp9, $4  }
0x37b: {  	s30 =	smul.u32 $0x600, s26  }
0x37c: {  	s0 =	spop (v2sf)  }
0x37d: {  	s31 =	sshrl.u32 s30, $0x2;
	s29 =	spop (v2sf)  }
0x37e: {  	s24 =	sadd.s32 $0x6948, s31;
	s23 =	spop (v2sf)  }
0x37f: {  	s1 =	smin.u32 s28, $0x10  }
0x380: {  	v1 =	vmov s1  }
0x381: {  	p3 =	sgt.s32 s28, $0x10;
	vm1 =	vgt.u32 v1, v0  }
.Ltmp10:
0x382: {  	_ = 	snop;
	(pc) =	sbr.rel @!p3 .LBB2_11-.Ltmp10, $2  }
0x383: {  	_ =	sdelay $0x2  }
0x384: {  	s2 =	simm.s32 $0x10;
	s25 =	sadd.s32 $0xFFFFFFF0, s28;
	s1 =	smov.u32 s24;
	vm0 =	vmmov vm1  }
.LBB2_10:
0x385: {  	s6 =	smin.u32 s25, $0x10;
	s2 =	sadd.s32 $0x10, s2;
	v1 =	vld.msk [tilespmem:s1+$0x0 ss:$0x1], vm1  }
0x386: {  	v2 =	vmov s6;
	p3 =	slt.s32 s2, s28  }
0x387: {  	vm1 =	vgt.u32 v2, v0  }
.Ltmp11:
0x388: {  	(pc) =	sbr.rel @p3 .LBB2_10-.Ltmp11, $3  }
0x389: {  	_ =	sdelay $0x1  }
0x38a: {  	v1 =	vshll.u32 v1, $0x4  }
0x38b: {  	s25 =	sadd.s32 $0xFFFFFFF0, s25;
	[tilespmem:s1+$0x0] =	vst.msk vm0, v1;
	s1 =	sadd.s32 $0x10, s1;
	vm0 =	vmmov vm1  }
.LBB2_11:
0x38c: {  	_ =	sdelay $0x4  }
0x38d: {  	v1 =	vld.msk [tilespmem:s1+$0x0 ss:$0x1], vm1;
	_ =	sdelay $0x4  }
0x38e: {  	v1 =	vshll.u32 v1, $0x4  }
0x38f: {  	[tilespmem:s1+$0x0] =	vst.msk vm0, v1  }
.LBB2_12:
0x390: {  	s1 =	sand.u32 $0x1, s22  }
0x391: {  	s2 =	smul.u32 $0x180, s1  }
0x392: {  	p3 =	sne.s32 s29, $0xFFFFFFFF  }
0x393: {  	v1 =	vld.msk @!p3 [tilespmem:s2+$0x6948], $0x1;
	_ =	sdelay $0x4  }
0x394: {  	(v2sf) =	vpush @!p3 v1, $0x0;
	_ =	sdelay $0x3  }
0x395: {  	s1 =	smul.u32 $0xC000, s1;
	_ =	sdelay $0x1  }
0x396: {  	v1 =	vld @!p3 [tilespmem:s1+$0x6C48];
	_ =	sdelay $0x4  }
0x397: {  	[tilespmem:$0x48] =	vst @!p3 v1  }
0x398: {  	v1 =	vld @!p3 [tilespmem:s1+$0x6C58]  }
.Ltmp12:
0x399: {  	_ = 	snop;
	(pc) =	sbr.rel @p2 .LBB2_23-.Ltmp12, $4  }
0x39a: {  	_ = 	snop  }
0x39b: {  	s30 =	spop @!p3 (v2sf)  }
0x39c: {  	s23 =	simm.s32 @!p3 $0x0;
	s25 =	smov.u32 s30  }
0x39d: {  	[tilespmem:$0x58] =	vst @!p3 v1;
	[sflag:s19] =	ssyncpa.u1 $0x0;
	s30 =	smov.u32 @p3 s0;
	s25 =	smov.u32 @p3 s29  }
0x39e: {  	v1 =	vld.msk [tilespmem:s24+$0x0], $0x1;
	_ =	sdelay $0x4  }
0x39f: {  	(v2sf) =	vpush v1, $0x0;
	_ =	sdelay $0xe  }
0x3a0: {  	s0 =	smul.u32 $0x30000, s26;
	s1 =	spop (v2sf)  }
0x3a1: {  	s28 =	ssub.s32 $0x0, s28;
	p2 =	seq.s32 s30, s1  }
0x3a2: {  	s6 =	smov.u32 s30;
	s0 =	sshrl.u32 s0, $0x2;
	p3 =	sgt.s32 @!p2 s30, $0x0  }
0x3a3: {  	s26 =	sadd.s32 $0x6C58, s0;
	s0 =	sadd.s32 $0x1, s28;
	p3 =	por !p3, p2  }
0x3a4: {  	s6 =	simm.s32 @p3 $0x0;
	p3 =	seq.s32 s0, $0x0  }
.Ltmp13:
0x3a5: {  	_ = 	snop;
	(pc) =	sbr.rel @p3 .LBB2_15-.Ltmp13, $4  }
0x3a6: {  	_ = 	snop  }
0x3a7: {  	s29 =	simm.s32 $0x0;
	s31 =	sadd.s32 $0x1, s24;
	s6 =	smin.u32 @!p2 s6, $0x112FFFC  }
0x3a8: {  	s2 =	simm.s32 @!p2 $0x1;
	s7 =	simm.s32 @!p2 $0x3068;
	s11 =	sand.u32 @!p2 $0x1FFFFF8, s6  }
0x3a9: {  	s2 =	smov.u32 @p2 s29;
	s6 =	sand.u32 @!p2 $0x7, s6;
	s11 =	sadd.s32 @!p2 s5, s11  }
.LBB2_14:
0x3aa: {  	s12 =	smov.u32 s2  }
0x3ab: {  	[tilespmem:s7], [sflag:$0x2] =	stream.linear.gather @!p2 [hbm4b:s11+s6], $0x20, $0x38;
	[tilespmem:$0x1EC48] =	vst v63  }
0x3ac: {  	s0 =	sadd.s32 $0x1, s0;
	s6 =	smov.u32 s1;
	v1 =	vld.msk [tilespmem:s31+$0x0], $0x1  }
0x3ad: {  	p3 =	seq.s32 s0, $0x0;
	_ =	sdelay $0x3  }
0x3ae: {  	(v2sf) =	vpush v1, $0x0;
	_ =	sdelay $0xe  }
0x3af: {  	s1 =	spop (v2sf)  }
0x3b0: {  	p2 =	seq.s32 s6, s1  }
0x3b1: {  	p4 =	sgt.s32 @!p2 s6, $0x0;
	s7 =	sshll.u32 @!p2 s2, $0x7;
	s2 =	sadd.s32 @!p2 $0x1, s2  }
.Ltmp14:
0x3b2: {  	p4 =	por !p4, p2;
	s7 =	sshra.s32 @!p2 s7, $0x2;
	(pc) =	sbr.rel @!p3 .LBB2_14-.Ltmp14, $4  }
0x3b3: {  	s2 =	smov.u32 @p2 s12;
	s6 =	simm.s32 @p4 $0x0;
	s7 =	sadd.s32 @!p2 $0x3068, s7  }
0x3b4: {  	s6 =	smin.u32 @!p2 s6, $0x112FFFC  }
0x3b5: {  	s11 =	sand.u32 @!p2 $0x1FFFFF8, s6;
	s6 =	sand.u32 @!p2 $0x7, s6  }
0x3b6: {  	s31 =	sadd.s32 $0x1, s31;
	s11 =	sadd.s32 @!p2 s5, s11  }
.LBB2_15:
0x3b7: {  	[tilespmem:s7], [sflag:$0x2] =	stream.linear.gather @!p2 [hbm4b:s11+s6], $0x20, $0x38;
	[tilespmem:$0x1EC48] =	vst v63  }
.Ltmp15:
0x3b8: {  	s0 =	sshll.u32 s2, $0x5;
	(pc) =	sbr.rel .LBB2_16-.Ltmp15, $4  }
0x3b9: {  	s1 =	simm.s32 $0x2;
	s0 =	sand.u32 $0x3FFFFFE0, s0  }
0x3ba: {  	_ =	swait.ge [sflag:s1], s0  }
0x3bb: {  	s0 =	ssub.s32 $0x0, s0;
	[sflag:s1] =	ssyncset.done $0x0  }
0x3bc: {  	[sflag:s1] =	ssyncadd.s32 s0;
	s0 =	simm.s32 $0x0  }
.LBB2_17:
0x3bd: {  	v1 =	vld [tilespmem:s26+$0xFFFFFFF0]  }
0x3be: {  	v2 =	vld [tilespmem:s1+$0x48];
	_ =	sdelay $0x4  }
0x3bf: {  	v1 =	vmax.f32 v1, v2  }
0x3c0: {  	v2 =	vld [tilespmem:s1+$0x58];
	[tilespmem:s1+$0x48] =	vst v1  }
0x3c1: {  	v1 =	vld [tilespmem:s26+$0x0];
	_ =	sdelay $0x4  }
0x3c2: {  	v1 =	vmax.f32 v1, v2  }
0x3c3: {  	[tilespmem:s1+$0x58] =	vst v1  }
.LBB2_21:
0x3c4: {  	s28 =	sadd.s32 $0x1, s28  }
0x3c5: {  	p2 =	seq.s32 s28, $0x0  }
.Ltmp16:
0x3c6: {  	_ = 	snop;
	(pc) =	sbr.rel @p2 .LBB2_22-.Ltmp16, $2  }
0x3c7: {  	_ =	sdelay $0x2  }
0x3c8: {  	s26 =	sadd.s32 $0x80, s26;
	s24 =	sadd.s32 $0x1, s24;
	s30 =	smov.u32 s31  }
.LBB2_16:
0x3c9: {  	v1 =	vld.msk [tilespmem:s24+$0x0], $0x1;
	_ =	sdelay $0x4  }
0x3ca: {  	(v2sf) =	vpush v1, $0x0;
	_ =	sdelay $0xe  }
0x3cb: {  	s31 =	spop (v2sf)  }
0x3cc: {  	p2 =	sne.s32 s30, s31  }
.Ltmp17:
0x3cd: {  	_ = 	snop;
	(pc) =	sbr.rel @!p2 .LBB2_17-.Ltmp17, $3  }
0x3ce: {  	_ =	sdelay $0x1  }
0x3cf: {  	s1 =	sshll.u32 s23, $0x7  }
0x3d0: {  	s1 =	sshra.s32 s1, $0x2  }
0x3d1: {  	p2 =	seq.s32 s30, s25  }
.Ltmp18:
0x3d2: {  	_ = 	snop;
	(pc) =	sbr.rel @!p2 .LBB2_19-.Ltmp18, $1  }
0x3d3: {  	_ =	sdelay $0x3  }
.Ltmp19:
0x3d4: {  	s1 =	sadd.s32 $0x48, s1;
	(pc) =	sbr.rel .LBB2_20-.Ltmp19, $4  }
0x3d5: {  	[spmem:s16] =	stream.linear.scatter [tilespmem:s1], [sflag:$0x1], $0x20, $0x38;
	[tilespmem:$0x1EC48] =	vst v63  }
0x3d6: {  	_ =	swait.ge [sflag:s4], $0x20  }
0x3d7: {  	[sflag:s4] =	ssyncset.done $0x0  }
0x3d8: {  	[sflag:s4] =	ssyncadd.s32 $0xFFFFFFE0  }
.LBB2_19:
0x3d9: {  	s2 =	sshll.u32 s29, $0x7  }
0x3da: {  	v2 =	vld [tilespmem:s1+$0x48];
	s2 =	sshra.s32 s2, $0x2  }
0x3db: {  	v1 =	vld [tilespmem:s2+$0x3068];
	_ =	sdelay $0x4  }
0x3dc: {  	v1 =	vmax.f32 v1, v2  }
0x3dd: {  	v2 =	vld [tilespmem:s1+$0x58];
	[tilespmem:s1+$0x48] =	vst v1  }
0x3de: {  	v1 =	vld [tilespmem:s2+$0x3078];
	_ =	sdelay $0x3  }
0x3df: {  	p2 =	sgt.u32 s30, $0x112FFFC  }
0x3e0: {  	s2 =	sand.u32 @!p2 $0x1FFFFF8, s30;
	v1 =	vmax.f32 v1, v2  }
0x3e1: {  	s6 =	sadd.s32 $0x48, s1;
	[tilespmem:s1+$0x58] =	vst v1;
	s1 =	sadd.s32 @!p2 s5, s2;
	s2 =	sand.u32 @!p2 $0x7, s30  }
0x3e2: {  	[hbm4b:s1+s2] =	stream.linear.scatter @!p2 [tilespmem:s6], [sflag:$0xC], $0x20, $0x38;
	[tilespmem:$0x1EC48] =	vst v63  }
0x3e3: {  	s1 =	simm.s32 $0x0  }
0x3e4: {  	s1 =	simm.s32 @!p2 $0x80  }
0x3e5: {  	s0 =	sadd.s32 s1, s0  }
.LBB2_20:
0x3e6: {  	s1 =	sadd.s32 $0x1, s23  }
0x3e7: {  	s2 =	smulhi.u32 $0xAAAAAAAB, s1;
	_ =	sdelay $0x1  }
0x3e8: {  	v1 =	vld [tilespmem:s26+$0xFFFFFFF0];
	s2 =	sshrl.u32 s2, $0x8  }
0x3e9: {  	s2 =	smul.u32 $0x180, s2;
	_ =	sdelay $0x1  }
0x3ea: {  	s23 =	ssub.s32 s1, s2  }
0x3eb: {  	s1 =	sshll.u32 s23, $0x5  }
0x3ec: {  	[tilespmem:s1+$0x48] =	vst v1  }
0x3ed: {  	v1 =	vld [tilespmem:s26+$0x0]  }
.Ltmp20:
0x3ee: {  	_ = 	snop;
	(pc) =	sbr.rel .LBB2_21-.Ltmp20, $2  }
0x3ef: {  	_ =	sdelay $0x2  }
0x3f0: {  	s29 =	sadd.s32 $0x1, s29;
	[tilespmem:s1+$0x58] =	vst v1  }
.LBB2_23:
.Ltmp21:
0x3f1: {  	(pc) =	sbr.rel .LBB2_24-.Ltmp21, $4  }
0x3f2: {  	_ = 	snop  }
0x3f3: {  	s0 =	simm.s32 $0x2  }
0x3f4: {  	_ =	swait.ge [sflag:s0], $0x0  }
0x3f5: {  	s31 =	smov.u32 s30;
	[sflag:s0] =	ssyncset.done $0x0;
	s0 =	simm.s32 $0x0  }
.LBB2_26:
0x3f6: {  	_ =	sfence.sel $0x180000  }
0x3f7: {  	s0 =	simm.s32 $0x9;
	[bflag:$0x0] =	sbarrier.arrive $0xFFFF  }
0x3f8: {  	s24 =	simm.s32 $0xA;
	[sflag:s0] =	ssyncpa.u1 $0x1  }
0x3f9: {  	s25 =	simm.s32 $0xB;
	[sflag:s24] =	ssyncpa.u1 $0x1  }
0x3fa: {  	s26 =	simm.s32 $0x2;
	[sflag:s25] =	ssyncpa.u1 $0x1  }
0x3fb: {  	[sflag:s26] =	ssyncpa.u1 $0x1  }
0x3fc: {  	v0 =	vld [tilespmem:$0x6088];
	_ =	sdelay $0x4  }
0x3fd: {  	(v2sf) =	vpush v0, $0x0  }
0x3fe: {  	(v2sf) =	vpush v0, $0x1;
	_ =	sdelay $0x1  }
0x3ff: {  	(v2sf) =	vpush v0, $0x2;
	_ =	sdelay $0xb  }
0x400: {  	s0 =	spop (v2sf)  }
0x401: {  	s1 =	spop (v2sf)  }
0x402: {  	s2 =	smov.u32 s0;
	p0 =	sne.s32 s0, s1  }
0x403: {  	s3 =	spop (v2sf);
	s2 =	simm.s32 @!p0 $0xFFFFFFFF  }
0x404: {  	v2 =	vimm.s32 $0x1;
	v3 =	vlaneseq.u32;
	p0 =	seq.s32 s3, $0xFFFFFFFF;
	v1 =	vmov s2  }
0x405: {  	s14 =	stileid.u32;
	v0 =	vperm.xlane v0, v2;
	p1 =	sne.s32 @!p0 s0, s1;
	v1 =	vperm.xlane v1, v3  }
0x406: {  	vm0 =	vcmask $0x3F04;
	s6 =	simm.s32 $0x6088;
	s0 =	simm.s32 @!p0 $0x1;
	p1 =	por !p1, p0  }
0x407: {  	s2 =	sshll.u32 s14, $0x1;
	s1 =	sshll.u32 @!p0 s3, $0x7;
	s0 =	simm.s32 @p1 $0x0;
	v0 =	vsel vm0, v1, v0  }
0x408: {  	s4 =	sor.u32 $0x400, s2;
	s1 =	sshra.s32 @!p0 s1, $0x2;
	s0 =	sor.u32 @!p0 s0, s2;
	[tilespmem:$0x6088] =	vst v0  }
0x409: {  	[spmem:s4] =	stream.linear.scatter [tilespmem:s6], [sflag:$0x1], $0x2, $0x38;
	[tilespmem:$0x1EC48] =	vst v63  }
0x40a: {  	s1 =	sadd.s32 @!p0 $0x48, s1;
	s0 =	sshll.u32 @!p0 s0, $0x5  }
0x40b: {  	[spmem:s0] =	stream.linear.scatter @!p0 [tilespmem:s1], [sflag:$0x1], $0x20, $0x38;
	[tilespmem:$0x1EC48] =	vst v63  }
0x40c: {  	s0 =	simm.s32 @!p0 $0x22  }
0x40d: {  	s28 =	simm.s32 $0x1;
	s0 =	simm.s32 @p0 $0x2  }
0x40e: {  	_ =	swait.ge [sflag:s28], s0  }
0x40f: {  	s0 =	ssub.s32 $0x0, s0;
	[sflag:s28] =	ssyncset.done $0x0  }
0x410: {  	p0 =	sne.s32 s14, $0x0;
	[sflag:s28] =	ssyncadd.s32 s0  }
.Ltmp22:
0x411: {  	_ =	sfence.stream.spmem;
	(pc) =	sbr.rel @p0 .LBB2_43-.Ltmp22, $4  }
0x412: {  	s29 =	simm.s32 $0x3;
	[bflag:$0x0] =	sbarrier.arrive $0xFFFF  }
0x413: {  	s30 =	simm.s32 $0x4;
	[sflag:s29] =	ssyncpa.u1 $0x1  }
0x414: {  	s31 =	simm.s32 $0x3C;
	[sflag:s30] =	ssyncpa.u1 $0x1  }
0x415: {  	s15 =	rddreg [dreg:$0x5];
	[sflag:s31] =	ssyncpa.u1 $0x1  }
0x416: {  	_ =	sfence.stream.spmem;
	s0 =	simm.s32 $0x5  }
0x417: {  	s1 =	simm.s32 $0x400;
	s2 =	simm.s32 $0x6098;
	[sflag:s0] =	ssyncpa.u1 $0x0  }
0x418: {  	[tilespmem:s2], [sflag:$0x5] =	stream.linear.gather [spmem:s1], $0x20, $0x38;
	[tilespmem:$0x1EC48] =	vst v63  }
0x419: {  	s26 =	simm.s32 $0x0;
	s28 =	simm.s32 $0x60B8  }
0x41a: {  	[tilespmem:s28], [sflag:$0x5] =	stream.linear.gather [spmem:s26], $0x400, $0x38;
	[tilespmem:$0x1EC48] =	vst v63  }
0x41b: {  	_ =	swait.ge [sflag:s0], $0x420  }
0x41c: {  	[sflag:s0] =	ssyncset.done $0x0  }
0x41d: {  	s29 =	simm.s32 $0x0;
	[sflag:s0] =	ssyncadd.s32 $0xFFFFFBE0  }
0x41e: {  	v0 =	vld.msk [tilespmem:s29+$0x6098], $0x1;
	_ =	sdelay $0x1  }
0x41f: {  	s30 =	simm.s32 $0x1  }
0x420: {  	v1 =	vld.msk [tilespmem:s30+$0x6098], $0x1;
	_ =	sdelay $0x1  }
0x421: {  	(v2sf) =	vpush v0, $0x0;
	_ =	sdelay $0x2  }
0x422: {  	(v2sf) =	vpush v1, $0x0;
	_ =	sdelay $0x2  }
0x423: {  	s31 =	simm.s32 $0x2  }
0x424: {  	v0 =	vld.msk [tilespmem:s31+$0x6098], $0x1;
	_ =	sdelay $0x2  }
0x425: {  	s1 =	simm.s32 $0xFFFFFFFF;
	s2 =	simm.s32 $0xFFFFFFFF;
	s0 =	simm.s32 $0xC  }
.LBB2_28:
0x426: {  	s3 =	smov.u32 s2;
	s4 =	smov.u32 s1  }
0x427: {  	s1 =	sshra.s32 s0, $0x2;
	p1 =	sne.s32 s0, $0x7C;
	s0 =	sadd.s32 $0x4, s0;
	(v2sf) =	vpush v0, $0x0  }
0x428: {  	v0 =	vld.msk [tilespmem:s1+$0x6098], $0x1  }
.Ltmp23:
0x429: {  	(pc) =	sbr.rel @p1 .LBB2_28-.Ltmp23, $4  }
0x42a: {  	s2 =	spop (v2sf)  }
0x42b: {  	p2 =	sne.s32 s4, $0xFFFFFFFF;
	s1 =	smov.u32 s2  }
0x42c: {  	p3 =	seq.s32 s2, $0xFFFFFFFF;
	s1 =	smov.u32 @p2 s4  }
0x42d: {  	s2 =	smov.u32 @p3 s3;
	s1 =	smov.u32 @p3 s4  }
0x42e: {  	(v2sf) =	vpush v0, $0x0;
	_ =	sdelay $0x8  }
0x42f: {  	s0 =	spop (v2sf)  }
0x430: {  	p1 =	sne.s32 s1, $0xFFFFFFFF;
	s3 =	smov.u32 s0  }
0x431: {  	s9 =	simm.s32 $0x6;
	p2 =	seq.s32 s0, $0xFFFFFFFF;
	s3 =	smov.u32 @p1 s1  }
0x432: {  	s10 =	simm.s32 $0x6068;
	s3 =	smov.u32 @p2 s1;
	s1 =	spop (v2sf)  }
0x433: {  	s0 =	smov.u32 @p2 s2;
	p1 =	sne.s32 s3, $0xFFFFFFFF;
	s6 =	smov.u32 s1  }
.Ltmp24:
0x434: {  	p2 =	seq.s32 s1, $0xFFFFFFFF;
	s6 =	smov.u32 @p1 s3;
	(pc) =	sbr.rel .LBB2_30-.Ltmp24, $4  }
0x435: {  	s11 =	simm.s32 $0x0;
	s6 =	smov.u32 @p2 s3;
	s4 =	spop (v2sf)  }
0x436: {  	[sflag:s9] =	ssyncpa.u1 $0x0;
	p1 =	sne.s32 s6, $0xFFFFFFFF;
	s8 =	smov.u32 s4  }
0x437: {  	s1 =	smov.u32 @p2 s0;
	p2 =	seq.s32 s4, $0xFFFFFFFF;
	s8 =	smov.u32 @p1 s6  }
0x438: {  	s3 =	simm.s32 $0x0;
	s4 =	smov.u32 @p2 s1;
	s8 =	smov.u32 @p2 s6  }
.LBB2_36:
0x439: {  	p1 =	sgt.u32 s12, $0x112FFFC  }
0x43a: {  	p2 =	seq.s32 @!p1 s12, s8  }
0x43b: {  	p1 =	por p1, p2  }
0x43c: {  	p2 =	sne.s32 @!p1 s12, s4  }
0x43d: {  	p1 =	por p1, !p2  }
0x43e: {  	s0 =	sshll.u32 @p1 s11, $0x7  }
0x43f: {  	s0 =	sand.u32 @!p1 $0x1FFFFF8, s12  }
0x440: {  	s1 =	sand.u32 @!p1 $0x7, s12;
	s0 =	sadd.s32 @!p1 s5, s0  }
0x441: {  	[tilespmem:s10], [sflag:$0x6] =	stream.linear.gather @!p1 [hbm4b:s0+s1], $0x20, $0x38;
	[tilespmem:$0x1EC48] =	vst v63  }
0x442: {  	_ =	swait.ge @!p1 [sflag:s9], $0x20  }
0x443: {  	[sflag:s9] =	ssyncset.done @!p1 $0x0  }
0x444: {  	s0 =	sshll.u32 @!p1 s11, $0x7;
	[sflag:s9] =	ssyncadd.s32 @!p1 $0xFFFFFFE0  }
0x445: {  	s1 =	sshrl.u32 @!p1 s0, $0x2;
	v1 =	vld @!p1 [tilespmem:$0x6068]  }
0x446: {  	v2 =	vld @!p1 [tilespmem:s1+$0x60B8];
	_ =	sdelay $0x4  }
0x447: {  	v1 =	vmax.f32 @!p1 v1, v2  }
0x448: {  	v2 =	vld @!p1 [tilespmem:s1+$0x60C8];
	[tilespmem:s1+$0x60B8] =	vst @!p1 v1  }
0x449: {  	v1 =	vld @!p1 [tilespmem:$0x6078];
	_ =	sdelay $0x4  }
0x44a: {  	v1 =	vmax.f32 @!p1 v1, v2  }
0x44b: {  	[tilespmem:s1+$0x60C8] =	vst @!p1 v1  }
0x44c: {  	s0 =	sshrl.u32 s0, $0x2;
	[tilespmem:s3+$0x6098] =	vst.msk $0x1, v0  }
0x44d: {  	v0 =	vld [tilespmem:s0+$0x60B8];
	_ =	sdelay $0x2  }
0x44e: {  	s31 =	sshll.u32 s3, $0x7  }
0x44f: {  	s1 =	sshra.s32 s31, $0x2  }
0x450: {  	[tilespmem:s1+$0x60B8] =	vst v0  }
0x451: {  	v0 =	vld [tilespmem:s0+$0x60C8];
	_ =	sdelay $0x4  }
0x452: {  	s3 =	sadd.s32 $0x1, s3;
	[tilespmem:s1+$0x60C8] =	vst v0  }
.LBB2_37:
0x453: {  	s11 =	sadd.s32 $0x1, s11  }
0x454: {  	p1 =	sne.s32 s11, $0x20  }
.Ltmp25:
0x455: {  	_ = 	snop;
	(pc) =	sbr.rel @!p1 .LBB2_38-.Ltmp25, $1  }
0x456: {  	_ =	sdelay $0x3  }
.LBB2_30:
0x457: {  	v0 =	vld.msk [tilespmem:s11+$0x6098], $0x1;
	_ =	sdelay $0x4  }
0x458: {  	(v2sf) =	vpush v0, $0x0;
	_ =	sdelay $0xe  }
0x459: {  	s12 =	spop (v2sf)  }
0x45a: {  	p1 =	seq.s32 s12, $0xFFFFFFFF  }
.Ltmp26:
0x45b: {  	_ = 	snop;
	(pc) =	sbr.rel @p1 .LBB2_37-.Ltmp26, $1  }
0x45c: {  	_ =	sdelay $0x3  }
0x45d: {  	p1 =	slt.s32 s3, $0x1  }
.Ltmp27:
0x45e: {  	_ = 	snop;
	(pc) =	sbr.rel @p1 .LBB2_36-.Ltmp27, $1  }
0x45f: {  	_ =	sdelay $0x3  }
0x460: {  	s0 =	simm.s32 $0x6098;
	p1 =	por $0x0, $0x0  }
0x461: {  	v1 =	vld.msk @!p1 [tilespmem:s0+$0x0], $0x1;
	_ =	sdelay $0x4  }
0x462: {  	(v2sf) =	vpush @!p1 v1, $0x0;
	_ =	sdelay $0xd  }
0x463: {  	p3 =	sne.s32 s3, $0x1  }
.Ltmp28:
0x464: {  	s1 =	spop @!p1 (v2sf);
	(pc) =	sbr.rel @!p3 .LBB2_34-.Ltmp28, $4  }
0x465: {  	p2 =	seq.s32 @!p1 s12, s1  }
0x466: {  	s13 =	simm.s32 $0x0;
	p2 =	por !p2, p1  }
0x467: {  	s2 =	simm.s32 $0xFFFFFFFF;
	s13 =	simm.s32 @p2 $0xFFFFFFFF  }
0x468: {  	s1 =	simm.s32 $0x1;
	s13 =	smov.u32 @p1 s2  }
.LBB2_33:
0x469: {  	s2 =	smov.u32 s13;
	p1 =	sne.s32 s13, $0xFFFFFFFF  }
0x46a: {  	s0 =	sadd.s32 $0x1, s0;
	s13 =	smov.u32 s1;
	s1 =	sadd.s32 $0x1, s1  }
0x46b: {  	p2 =	sne.s32 s3, s1;
	v1 =	vld.msk @!p1 [tilespmem:s0+$0x0], $0x1;
	_ =	sdelay $0x4  }
0x46c: {  	(v2sf) =	vpush @!p1 v1, $0x0;
	_ =	sdelay $0xe  }
.Ltmp29:
0x46d: {  	s6 =	spop @!p1 (v2sf);
	(pc) =	sbr.rel @p2 .LBB2_33-.Ltmp29, $4  }
0x46e: {  	p3 =	seq.s32 @!p1 s12, s6  }
0x46f: {  	p3 =	por !p3, p1  }
0x470: {  	s13 =	simm.s32 @p3 $0xFFFFFFFF  }
0x471: {  	s13 =	smov.u32 @p1 s2  }
.LBB2_34:
0x472: {  	p1 =	seq.s32 s13, $0xFFFFFFFF  }
.Ltmp30:
0x473: {  	_ = 	snop;
	(pc) =	sbr.rel @p1 .LBB2_36-.Ltmp30, $1  }
0x474: {  	_ =	sdelay $0x3  }
0x475: {  	s0 =	sshll.u32 s11, $0x5  }
0x476: {  	s1 =	sshll.u32 s13, $0x7;
	s0 =	sand.u32 $0x3FFFFFE0, s0  }
0x477: {  	s1 =	sshra.s32 s1, $0x2;
	v0 =	vld [tilespmem:s0+$0x60B8]  }
0x478: {  	v1 =	vld [tilespmem:s1+$0x60B8];
	_ =	sdelay $0x4  }
0x479: {  	v0 =	vmax.f32 v0, v1  }
0x47a: {  	v63 =	vld [tilespmem:s1+$0x60C8];
	[tilespmem:s1+$0x60B8] =	vst v0  }
0x47b: {  	v0 =	vld [tilespmem:s0+$0x60C8];
	_ =	sdelay $0x1  }
.Ltmp31:
0x47c: {  	_ = 	snop;
	(pc) =	sbr.rel .LBB2_37-.Ltmp31, $3  }
0x47d: {  	_ =	sdelay $0x1  }
0x47e: {  	v0 =	vmax.f32 v0, v63  }
0x47f: {  	[tilespmem:s1+$0x60C8] =	vst v0  }
.LBB2_38:
0x480: {  	s0 =	simm.s32 $0x6;
	p1 =	seq.s32 s3, $0x0  }
0x481: {  	[sflag:s0] =	ssyncpa.u1 $0x1;
	v0 =	vimm.s32 @p1 $0xFFFFFFFF  }
0x482: {  	s0 =	sadd.s32 $0xFFFFFFFF, s3;
	[tilespmem:$0x64B8] =	vst @p1 v0  }
0x483: {  	v0 =	vld.msk @!p1 [tilespmem:s0+$0x6098], $0x1;
	_ =	sdelay $0x1  }
0x484: {  	v1 =	vld.msk @!p1 [tilespmem:$0x6098], $0x1;
	_ =	sdelay $0x2  }
0x485: {  	p2 =	seq.s32 @!p1 s0, $0x0;
	v0 =	vbroadcast @!p1 v0, $0x0  }
0x486: {  	vm0 =	vmmov @!p1 $0x1;
	p2 =	por !p2, p1  }
0x487: {  	v1 =	vnsel @!p1 vm0, $0xFFFFFFFF, v1;
	vm0 =	vcmask @!p1 $0x308;
	v0 =	vpsel !p2, $0xFFFFFFFF, v0  }
0x488: {  	p2 =	sne.s32 @!p1 s8, s4;
	v0 =	vsel @!p1 vm0, v1, v0  }
0x489: {  	s1 =	simm.s32 @!p1 $0x60B8;
	s2 =	simm.s32 @!p1 $0x0;
	p3 =	por !p2, p1;
	[tilespmem:$0x64B8] =	vst @!p1 v0  }
0x48a: {  	[spmem:s2] =	stream.linear.scatter @!p1 [tilespmem:s1], [sflag:$0x1], $0x20, $0x38;
	[tilespmem:$0x1EC48] =	vst v63  }
0x48b: {  	s1 =	sshll.u32 @!p3 s0, $0x7  }
0x48c: {  	s1 =	sshra.s32 @!p3 s1, $0x2  }
0x48d: {  	s2 =	simm.s32 @!p3 $0x20;
	s1 =	sadd.s32 @!p3 $0x60B8, s1  }
0x48e: {  	[spmem:s2] =	stream.linear.scatter @!p3 [tilespmem:s1], [sflag:$0x1], $0x20, $0x38;
	[tilespmem:$0x1EC48] =	vst v63  }
0x48f: {  	s1 =	simm.s32 @!p3 $0x1  }
0x490: {  	_ =	swait.ge @!p3 [sflag:s1], $0x40  }
0x491: {  	p1 =	por p2, p1;
	[sflag:s1] =	ssyncset.done @!p3 $0x0  }
0x492: {  	[sflag:s1] =	ssyncadd.s32 @!p3 $0xFFFFFFC0;
	s1 =	simm.s32 @!p1 $0x1  }
0x493: {  	_ =	swait.ge @!p1 [sflag:s1], $0x20  }
0x494: {  	s29 =	simm.s32 $0x64B8;
	[sflag:s1] =	ssyncset.done @!p1 $0x0  }
0x495: {  	s30 =	simm.s32 $0x400;
	s31 =	simm.s32 $0x1;
	[sflag:s1] =	ssyncadd.s32 @!p1 $0xFFFFFFE0  }
0x496: {  	[spmem:s30] =	stream.linear.scatter [tilespmem:s29], [sflag:$0x1], $0x10, $0x38;
	[tilespmem:$0x1EC48] =	vst v63  }
0x497: {  	_ =	swait.ge [sflag:s31], $0x10  }
0x498: {  	[sflag:s31] =	ssyncset.done $0x0  }
0x499: {  	p1 =	seq.s32 s15, $0x0;
	s9 =	rddreg [dreg:$0x2];
	[sflag:s31] =	ssyncadd.s32 $0xFFFFFFF0  }
0x49a: {  	s2 =	sshll.u32 @p1 s9, $0xE;
	s8 =	rddreg [dreg:$0x3]  }
0x49b: {  	s1 =	sadd.s32 @p1 $0x15C3C, s2;
	s2 =	sshll.u32 @p1 s8, $0x11  }
0x49c: {  	_ =	sfence.stream.spmem;
	s1 =	sor.u32 @p1 s2, s1  }
0x49d: {  	[sflag:s1] =	ssyncadd.remote.s32 @p1 $0x1;
	s1 =	simm.s32 @p1 $0x4  }
0x49e: {  	s4 =	simm.s32 @!p1 $0x3C;
	s2 =	sand.u32 $0xFFFFFFFE, s9;
	_ =	swait.ge @p1 [sflag:s1], $0xA  }
0x49f: {  	s6 =	simm.s32 @!p1 $0x0;
	s2 =	sadd.s32 @!p1 $0x4, s2;
	[sflag:s1] =	ssyncset.done @p1 $0x0  }
0x4a0: {  	s7 =	simm.s32 @!p1 $0x40;
	[sflag:s1] =	ssyncadd.s32 @p1 $0xFFFFFFF6;
	s1 =	sshll.u32 @!p1 s2, $0x1A  }
0x4a1: {  	s2 =	sshll.u32 @!p1 s2, $0xD;
	s1 =	sor.u32 @!p1 s1, s8;
	_ =	swait.eq @!p1 [sflag:s4], $0x1  }
0x4a2: {  	s2 =	sor.u32 @!p1 $0x1C04, s2;
	s4 =	simm.s32 @!p1 $0x1C03;
	s1 =	sor.u32 @!p1 $0x80004000, s1  }
0x4a3: {  	[spmem:s7], [sflag:s2] =	dma.general @!p1 [spmem:s6], [sflag:s4], length:$0x8, [dreg:$0x0], stride_count:$0x0, ici_dest:s1, dma_misc:DstOpCode:WRITE  }
0x4a4: {  	p2 =	slt.s32 s0, $0x2;
	s6 =	simm.s32 @!p1 $0x80;
	s7 =	simm.s32 @!p1 $0x82  }
0x4a5: {  	[spmem:s7], [sflag:s2] =	dma.general @!p1 [spmem:s6], [sflag:s4], length:$0x2, [dreg:$0x0], stride_count:$0x0, ici_dest:s1, dma_misc:DstOpCode:WRITE  }
.Ltmp32:
0x4a6: {  	s1 =	simm.s32 @!p1 $0x3;
	(pc) =	sbr.rel @p2 .LBB2_42-.Ltmp32, $4  }
0x4a7: {  	s2 =	sshll.u32 @!p1 s9, $0xE;
	_ =	swait.ge @!p1 [sflag:s1], $0xA  }
0x4a8: {  	s4 =	sshll.u32 @!p1 s8, $0x11;
	s2 =	sadd.s32 @!p1 $0x11C3C, s2;
	[sflag:s1] =	ssyncset.done @!p1 $0x0  }
0x4a9: {  	[sflag:s1] =	ssyncadd.s32 @!p1 $0xFFFFFFF6;
	s1 =	sor.u32 @!p1 s4, s2  }
0x4aa: {  	s0 =	simm.s32 $0x0;
	[sflag:s1] =	ssyncadd.remote.s32 @!p1 $0xFFFFFFFF  }
0x4ab: {  	s0 =	simm.s32 $0x6099  }
0x4ac: {  	v0 =	vld.msk [tilespmem:s0+$0x0], $0x1;
	_ =	sdelay $0x4  }
0x4ad: {  	(v2sf) =	vpush v0, $0x0;
	_ =	sdelay $0xc  }
0x4ae: {  	s1 =	sadd.s32 $0xFFFFFFFE, s3  }
0x4af: {  	s1 =	sadd.s32 $0xFFFFFFFF, s1  }
0x4b0: {  	p2 =	sne.s32 s1, $0x0;
	s2 =	spop (v2sf)  }
.Ltmp33:
0x4b1: {  	p1 =	sgt.u32 s2, $0x112FFFC;
	(pc) =	sbr.rel @!p2 .LBB2_41-.Ltmp33, $4  }
0x4b2: {  	s4 =	simm.s32 $0x0;
	s3 =	sand.u32 @!p1 $0x1FFFFF8, s2  }
0x4b3: {  	s0 =	simm.s32 $0x60D8;
	s2 =	sand.u32 @!p1 $0x7, s2;
	s3 =	sadd.s32 @!p1 s5, s3  }
0x4b4: {  	[hbm4b:s3+s2] =	stream.linear.scatter @!p1 [tilespmem:s0], [sflag:$0x5], $0x20, $0x38;
	[tilespmem:$0x1EC48] =	vst v63  }
0x4b5: {  	s4 =	simm.s32 @!p1 $0x80;
	s2 =	simm.s32 $0x0;
	s3 =	simm.s32 $0x609A  }
.LBB2_40:
0x4b6: {  	v0 =	vld.msk [tilespmem:s3+$0x0], $0x1;
	s1 =	sadd.s32 $0xFFFFFFFF, s1;
	s2 =	sadd.s32 s2, s4  }
0x4b7: {  	p1 =	sne.s32 s1, $0x0;
	_ =	sdelay $0x3  }
0x4b8: {  	(v2sf) =	vpush v0, $0x0;
	_ =	sdelay $0xe  }
.Ltmp34:
0x4b9: {  	s6 =	spop (v2sf);
	(pc) =	sbr.rel @p1 .LBB2_40-.Ltmp34, $4  }
0x4ba: {  	s4 =	simm.s32 $0x0;
	p2 =	sgt.u32 s6, $0x112FFFC  }
0x4bb: {  	s0 =	sadd.s32 $0x20, s0;
	s4 =	simm.s32 @!p2 $0x80;
	s7 =	sand.u32 @!p2 $0x1FFFFF8, s6  }
0x4bc: {  	s3 =	sadd.s32 $0x1, s3;
	s6 =	sand.u32 @!p2 $0x7, s6;
	s7 =	sadd.s32 @!p2 s5, s7  }
0x4bd: {  	[hbm4b:s7+s6] =	stream.linear.scatter @!p2 [tilespmem:s0], [sflag:$0x5], $0x20, $0x38;
	[tilespmem:$0x1EC48] =	vst v63  }
.LBB2_41:
0x4be: {  	s0 =	sadd.s32 s2, s4  }
0x4bf: {  	s0 =	sshrl.u32 s0, $0x2  }
.LBB2_42:
0x4c0: {  	s1 =	simm.s32 $0x5  }
0x4c1: {  	_ =	swait.ge [sflag:s1], s0  }
0x4c2: {  	s31 =	ssub.s32 $0x0, s0;
	[sflag:s1] =	ssyncset.done $0x0  }
0x4c3: {  	[sflag:s1] =	ssyncadd.s32 s31  }
0x4c4: {  	[sflag:s1] =	ssyncpa.u1 $0x1  }
.LBB2_43:
0x4c5: {  	s0 =	sor.u32 s15, s14  }
0x4c6: {  	p1 =	sne.s32 s0, $0x0  }
.Ltmp35:
0x4c7: {  	_ = 	snop;
	(pc) =	sbr.rel @p1 .LBB2_58-.Ltmp35, $3  }
0x4c8: {  	_ =	sdelay $0x1  }
0x4c9: {  	[bflag:$0x0] =	sbarrier.arrive $0xFFFF  }
0x4ca: {  	_ =	sfence  }
0x4cb: {  	s0 =	simm.s32 $0x7  }
0x4cc: {  	s1 =	simm.s32 $0x400;
	s2 =	simm.s32 $0x6098;
	[sflag:s0] =	ssyncpa.u1 $0x0  }
0x4cd: {  	[tilespmem:s2], [sflag:$0x7] =	stream.linear.gather [spmem:s1], $0x20, $0x38;
	[tilespmem:$0x1EC48] =	vst v63  }
0x4ce: {  	s30 =	simm.s32 $0x60B8;
	s1 =	simm.s32 $0x0  }
0x4cf: {  	[tilespmem:s30], [sflag:$0x7] =	stream.linear.gather [spmem:s1], $0x400, $0x38;
	[tilespmem:$0x1EC48] =	vst v63  }
.Ltmp36:
0x4d0: {  	_ = 	snop;
	(pc) =	sbr.rel .LBB2_45-.Ltmp36, $4  }
0x4d1: {  	_ =	swait.ge [sflag:s0], $0x420  }
0x4d2: {  	[sflag:s0] =	ssyncset.done $0x0  }
0x4d3: {  	s31 =	simm.s32 $0x8;
	[sflag:s0] =	ssyncadd.s32 $0xFFFFFBE0  }
0x4d4: {  	s2 =	simm.s32 $0x0;
	[sflag:s31] =	ssyncpa.u1 $0x0  }
.LBB2_51:
0x4d5: {  	p1 =	slt.u32 s0, $0x112FFFD  }
0x4d6: {  	s3 =	sand.u32 @p1 $0x1FFFFF8, s0  }
0x4d7: {  	s0 =	sand.u32 @p1 $0x7, s0;
	s4 =	simm.s32 @p1 $0x6068;
	s3 =	sadd.s32 @p1 s5, s3  }
0x4d8: {  	[tilespmem:s4], [sflag:$0x8] =	stream.linear.gather @p1 [hbm4b:s3+s0], $0x20, $0x38;
	[tilespmem:$0x1EC48] =	vst v63  }
0x4d9: {  	s0 =	simm.s32 @p1 $0x8  }
0x4da: {  	_ =	swait.ge @p1 [sflag:s0], $0x20  }
0x4db: {  	[sflag:s0] =	ssyncset.done @p1 $0x0  }
0x4dc: {  	[sflag:s0] =	ssyncadd.s32 @p1 $0xFFFFFFE0;
	s0 =	sshll.u32 @p1 s2, $0x7  }
0x4dd: {  	s3 =	sshrl.u32 @p1 s0, $0x2;
	v1 =	vld @p1 [tilespmem:$0x6068]  }
0x4de: {  	v2 =	vld @p1 [tilespmem:s3+$0x60B8];
	_ =	sdelay $0x4  }
0x4df: {  	v1 =	vmax.f32 @p1 v1, v2  }
0x4e0: {  	v2 =	vld @p1 [tilespmem:s3+$0x60C8];
	[tilespmem:s3+$0x60B8] =	vst @p1 v1  }
0x4e1: {  	v1 =	vld @p1 [tilespmem:$0x6078];
	_ =	sdelay $0x4  }
0x4e2: {  	s4 =	sshll.u32 @!p1 s2, $0x7;
	v1 =	vmax.f32 @p1 v1, v2  }
0x4e3: {  	s4 =	smov.u32 @p1 s0;
	[tilespmem:s3+$0x60C8] =	vst @p1 v1  }
0x4e4: {  	s0 =	sshrl.u32 s4, $0x2;
	[tilespmem:s1+$0x6098] =	vst.msk $0x1, v0  }
0x4e5: {  	v0 =	vld [tilespmem:s0+$0x60B8];
	_ =	sdelay $0x2  }
0x4e6: {  	s31 =	sshll.u32 s1, $0x7  }
0x4e7: {  	s3 =	sshra.s32 s31, $0x2  }
0x4e8: {  	[tilespmem:s3+$0x60B8] =	vst v0  }
0x4e9: {  	v0 =	vld [tilespmem:s0+$0x60C8];
	_ =	sdelay $0x4  }
0x4ea: {  	s1 =	sadd.s32 $0x1, s1;
	[tilespmem:s3+$0x60C8] =	vst v0  }
.LBB2_52:
0x4eb: {  	s2 =	sadd.s32 $0x1, s2  }
0x4ec: {  	p1 =	sne.s32 s2, $0x20  }
.Ltmp37:
0x4ed: {  	_ = 	snop;
	(pc) =	sbr.rel @!p1 .LBB2_53-.Ltmp37, $1  }
0x4ee: {  	_ =	sdelay $0x3  }
.LBB2_45:
0x4ef: {  	v0 =	vld.msk [tilespmem:s2+$0x6098], $0x1;
	_ =	sdelay $0x4  }
0x4f0: {  	(v2sf) =	vpush v0, $0x0;
	_ =	sdelay $0xe  }
0x4f1: {  	s0 =	spop (v2sf)  }
0x4f2: {  	p1 =	seq.s32 s0, $0xFFFFFFFF  }
.Ltmp38:
0x4f3: {  	_ = 	snop;
	(pc) =	sbr.rel @p1 .LBB2_52-.Ltmp38, $1  }
0x4f4: {  	_ =	sdelay $0x3  }
0x4f5: {  	p1 =	slt.s32 s1, $0x1  }
.Ltmp39:
0x4f6: {  	_ = 	snop;
	(pc) =	sbr.rel @p1 .LBB2_51-.Ltmp39, $1  }
0x4f7: {  	_ =	sdelay $0x3  }
0x4f8: {  	s3 =	simm.s32 $0x6098;
	p1 =	por $0x0, $0x0  }
0x4f9: {  	v1 =	vld.msk @!p1 [tilespmem:s3+$0x0], $0x1;
	_ =	sdelay $0x4  }
0x4fa: {  	(v2sf) =	vpush @!p1 v1, $0x0;
	_ =	sdelay $0xd  }
0x4fb: {  	p3 =	sne.s32 s1, $0x1  }
.Ltmp40:
0x4fc: {  	s4 =	spop @!p1 (v2sf);
	(pc) =	sbr.rel @!p3 .LBB2_49-.Ltmp40, $4  }
0x4fd: {  	p2 =	seq.s32 @!p1 s0, s4  }
0x4fe: {  	s4 =	simm.s32 $0x0;
	p2 =	por !p2, p1  }
0x4ff: {  	s7 =	simm.s32 $0xFFFFFFFF;
	s4 =	simm.s32 @p2 $0xFFFFFFFF  }
0x500: {  	s6 =	simm.s32 $0x1;
	s4 =	smov.u32 @p1 s7  }
.LBB2_48:
0x501: {  	s7 =	smov.u32 s4;
	p1 =	sne.s32 s4, $0xFFFFFFFF  }
0x502: {  	s3 =	sadd.s32 $0x1, s3;
	s4 =	smov.u32 s6;
	s6 =	sadd.s32 $0x1, s6  }
0x503: {  	p2 =	sne.s32 s1, s6;
	v1 =	vld.msk @!p1 [tilespmem:s3+$0x0], $0x1;
	_ =	sdelay $0x4  }
0x504: {  	(v2sf) =	vpush @!p1 v1, $0x0;
	_ =	sdelay $0xe  }
.Ltmp41:
0x505: {  	s8 =	spop @!p1 (v2sf);
	(pc) =	sbr.rel @p2 .LBB2_48-.Ltmp41, $4  }
0x506: {  	p3 =	seq.s32 @!p1 s0, s8  }
0x507: {  	p3 =	por !p3, p1  }
0x508: {  	s4 =	simm.s32 @p3 $0xFFFFFFFF  }
0x509: {  	s4 =	smov.u32 @p1 s7  }
.LBB2_49:
0x50a: {  	p1 =	seq.s32 s4, $0xFFFFFFFF  }
.Ltmp42:
0x50b: {  	_ = 	snop;
	(pc) =	sbr.rel @p1 .LBB2_51-.Ltmp42, $1  }
0x50c: {  	_ =	sdelay $0x3  }
0x50d: {  	s0 =	sshll.u32 s2, $0x5  }
0x50e: {  	s3 =	sshll.u32 s4, $0x7;
	s0 =	sand.u32 $0x3FFFFFE0, s0  }
0x50f: {  	s3 =	sshra.s32 s3, $0x2;
	v0 =	vld [tilespmem:s0+$0x60B8]  }
0x510: {  	v1 =	vld [tilespmem:s3+$0x60B8];
	_ =	sdelay $0x4  }
0x511: {  	v0 =	vmax.f32 v0, v1  }
0x512: {  	v63 =	vld [tilespmem:s3+$0x60C8];
	[tilespmem:s3+$0x60B8] =	vst v0  }
0x513: {  	v0 =	vld [tilespmem:s0+$0x60C8];
	_ =	sdelay $0x1  }
.Ltmp43:
0x514: {  	_ = 	snop;
	(pc) =	sbr.rel .LBB2_52-.Ltmp43, $3  }
0x515: {  	_ =	sdelay $0x1  }
0x516: {  	v0 =	vmax.f32 v0, v63  }
0x517: {  	[tilespmem:s3+$0x60C8] =	vst v0  }
.LBB2_53:
0x518: {  	p1 =	slt.s32 s1, $0x1  }
.Ltmp44:
0x519: {  	_ = 	snop;
	(pc) =	sbr.rel @p1 .LBB2_57-.Ltmp44, $3  }
0x51a: {  	_ =	sdelay $0x1  }
0x51b: {  	s0 =	simm.s32 $0x8  }
0x51c: {  	[sflag:s0] =	ssyncpa.u1 $0x1;
	s0 =	simm.s32 $0x0  }
0x51d: {  	s2 =	simm.s32 $0x6098  }
0x51e: {  	v0 =	vld.msk [tilespmem:s2+$0x0], $0x1;
	_ =	sdelay $0x4  }
0x51f: {  	(v2sf) =	vpush v0, $0x0;
	_ =	sdelay $0xe  }
0x520: {  	s1 =	sadd.s32 $0xFFFFFFFF, s1;
	s3 =	spop (v2sf)  }
0x521: {  	p2 =	sne.s32 s1, $0x0;
	p1 =	sgt.u32 s3, $0x112FFFC  }
.Ltmp45:
0x522: {  	s4 =	sand.u32 @!p1 $0x1FFFFF8, s3;
	(pc) =	sbr.rel @!p2 .LBB2_56-.Ltmp45, $4  }
0x523: {  	s2 =	simm.s32 $0x60B8;
	s3 =	sand.u32 @!p1 $0x7, s3;
	s4 =	sadd.s32 @!p1 s5, s4  }
0x524: {  	[hbm4b:s4+s3] =	stream.linear.scatter @!p1 [tilespmem:s2], [sflag:$0x7], $0x20, $0x38;
	[tilespmem:$0x1EC48] =	vst v63  }
0x525: {  	s4 =	simm.s32 $0x0  }
0x526: {  	s3 =	simm.s32 $0x6099;
	s4 =	simm.s32 @!p1 $0x80  }
.LBB2_55:
0x527: {  	v0 =	vld.msk [tilespmem:s3+$0x0], $0x1;
	s1 =	sadd.s32 $0xFFFFFFFF, s1;
	s0 =	sadd.s32 s0, s4  }
0x528: {  	p1 =	sne.s32 s1, $0x0;
	_ =	sdelay $0x3  }
0x529: {  	(v2sf) =	vpush v0, $0x0;
	_ =	sdelay $0xe  }
.Ltmp46:
0x52a: {  	s6 =	spop (v2sf);
	(pc) =	sbr.rel @p1 .LBB2_55-.Ltmp46, $4  }
0x52b: {  	s4 =	simm.s32 $0x0;
	p2 =	sgt.u32 s6, $0x112FFFC  }
0x52c: {  	s2 =	sadd.s32 $0x20, s2;
	s4 =	simm.s32 @!p2 $0x80;
	s7 =	sand.u32 @!p2 $0x1FFFFF8, s6  }
0x52d: {  	s3 =	sadd.s32 $0x1, s3;
	s6 =	sand.u32 @!p2 $0x7, s6;
	s7 =	sadd.s32 @!p2 s5, s7  }
0x52e: {  	[hbm4b:s7+s6] =	stream.linear.scatter @!p2 [tilespmem:s2], [sflag:$0x7], $0x20, $0x38;
	[tilespmem:$0x1EC48] =	vst v63  }
.LBB2_56:
0x52f: {  	s0 =	sadd.s32 s0, s4  }
0x530: {  	s0 =	sshrl.u32 s0, $0x2  }
.LBB2_57:
0x531: {  	s1 =	simm.s32 $0x7  }
0x532: {  	_ =	swait.ge [sflag:s1], s0  }
0x533: {  	s31 =	ssub.s32 $0x0, s0;
	[sflag:s1] =	ssyncset.done $0x0  }
0x534: {  	[sflag:s1] =	ssyncadd.s32 s31  }
0x535: {  	[sflag:s1] =	ssyncpa.u1 $0x1  }
.LBB2_58:
0x536: {  	_ =	sfence;
	s0 =	simm.s32 $0x1  }
0x537: {  	[sflag:s0] =	ssyncpa.u1 $0x1  }
0x538: {  	_ =	strace $0x9000004D  }
0x539: {  	[bflag:$0x2] =	sbarrier.arrive $0xFFFF  }
0x53a: {  	s0 =	rddreg [dreg:$0x4]  }
0x53b: {  	s0 =	sadd.s32 @!p0 $0x100000, s0  }
0x53c: {  	[sflag:s0] =	ssyncadd.tile.s32 @!p0 $0x1;
	_ =	shalt  }
.Lfunc_end2:
_tile_overlayer_lowered:
.L_overlay_start_2:
0x53d: {  	(tag) =	ssettag $0x2  }
0x53e: {  	s0 =	rddreg [dreg:$0x0];
	s2 =	stileid.u32  }
0x53f: {  	s1 =	rddreg [dreg:$0x1];
	p0 =	sne.s32 s2, $0x0  }
0x540: {  	s3 =	rddreg [dreg:$0x2];
	[bflag:$0x3] =	sbarrier.arrive $0xFFFF;
	s2 =	simm.s32 @!p0 $0x1C01  }
0x541: {  	[timem:s3], [sflag:s2] =	dma.local @!p0 [hbm:s0], s1  }
0x542: {  	s0 =	simm.s32 @!p0 $0x1  }
0x543: {  	_ =	swait.ge @!p0 [sflag:s0], s1  }
0x544: {  	s1 =	ssub.s32 @!p0 $0x0, s1;
	[sflag:s0] =	ssyncset.done @!p0 $0x0  }
0x545: {  	[sflag:s0] =	ssyncadd.s32 @!p0 s1  }
0x546: {  	[bflag:$0x3] =	sbarrier.arrive $0xFFFF  }
0x547: {  	_ =	shalt  }

// kernel: sparse-core-data-format-call.1.cloned.1.call-start
scs
called_computation.2_lowered:
.L_overlay_start_0:
0x0: {  	s2 =	sld [smem:$0x3FD9]  }
0x1: {  	s3 =	sld [smem:$0x3FFE];
	_ =	sdelay $0x1  }
0x2: {  	s1 =	srdreg.scid  }
0x3: {  	s0 =	sand.u32 $0x1, s1  }
0x4: {  	s18 =	sshll.u32 s0, $0xA;
	s2 =	sadd.s32 s3, s2  }
0x5: {  	s2 =	sadd.s32 s2, s18  }
0x6: {  	[smem:$0x3FC1] =	sst s2  }
0x7: {  	_ = 	snop  }
0x8: {  	s2 =	sld [smem:$0x3FD0];
	(tm) =	ssettm $0x1  }
0x9: {  	s19 =	sld [smem:$0x3FFB];
	_ =	sdelay $0x3  }
0xa: {  	_ =	strace s19  }
0xb: {  	s3 =	sld [smem:$0x3FFC];
	_ =	sdelay $0x3  }
0xc: {  	_ =	strace s3  }
0xd: {  	s3 =	sld [smem:$0x3FFD];
	_ =	sdelay $0x3  }
0xe: {  	_ =	strace s3  }
0xf: {  	_ =	strace $0x8FFFFFFF  }
0x10: {  	s20 =	sld [smem:$0x3FDB];
	_ =	sdelay $0x1  }
0x11: {  	s4 =	simm.s32 $_scs_section_size  }
0x12: {  	s5 =	simm.s32 $_size__tile_overlayer_lowered;
	s6 =	simm.s32 $_tile_overlayer_lowered  }
0x13: {  	s23 =	simm.s32 $0x1BFF;
	s22 =	sshll.u32 s6, $0x1;
	s3 =	sadd.s32 s4, s20  }
0x14: {  	s7 =	simm.s32 $0x0;
	s21 =	sshll.u32 s5, $0x1;
	s5 =	sadd.s32 s22, s3  }
0x15: {  	[timem:s7], [sflag:s23] =	dma.local [hbm:s5], s21  }
0x16: {  	_ =	swait.ge [sflag:s23], s21  }
0x17: {  	s4 =	ssub.s32 $0x0, s21;
	[sflag:s23] =	ssyncset.done $0x0  }
0x18: {  	[sflag:s23] =	ssyncadd.s32 s4;
	_ =	sdelay $0x1  }
0x19: {  	s24 =	simm.s32 $0x1B8B  }
0x1a: {  	_ =	swait.ge [sflag:s24], $0x1  }
0x1b: {  	[sflag:s24] =	ssyncset.done $0x0  }
0x1c: {  	s26 =	simm.s32 $0x1B8E;
	s25 =	sld [smem:$0x3FFE];
	[sflag:s24] =	ssyncadd.s32 $0xFFFFFFFF  }
0x1d: {  	s27 =	simm.s32 $execute0_lowered;
	[smem:$0x3FD2] =	sst s26  }
0x1e: {  	s5 =	sshll.u32 s27, $0x1;
	_ =	strace $0x80000049;
	[dreg:$0x1] =	wrdreg $0xFFFFFFFF  }
0x1f: {  	s28 =	simm.s32 $_size_execute0_lowered;
	s3 =	sadd.s32 s3, s5;
	[dreg:$0x0] =	wrdreg $0x0  }
0x20: {  	s5 =	sshll.u32 s28, $0x1;
	[dreg:$0x2] =	wrdreg s3  }
0x21: {  	[dreg:$0x3] =	wrdreg s5  }
0x22: {  	[dreg:$0x4] =	wrdreg $0xC0  }
0x23: {  	_ =	task [dreg:s7], $0x5FFFF  }
0x24: {  	[dreg:$0x1] =	wrdreg $0xFFFFFFFF  }
0x25: {  	[dreg:$0x0] =	wrdreg $0x60  }
0x26: {  	[dreg:$0x2] =	wrdreg s25  }
0x27: {  	[dreg:$0x3] =	wrdreg s2  }
0x28: {  	[dreg:$0x4] =	wrdreg $0x9  }
0x29: {  	_ =	task.clear_ibuf [dreg:s7], $0x5FFFF;
	_ =	strace $0x90000049  }
0x2a: {  	s29 =	simm.s32 $0x9;
	_ =	strace $0x8000004B  }
0x2b: {  	_ =	swait.ge [sflag:s29], $0x1  }
0x2c: {  	[sflag:s29] =	ssyncadd.s32 $0xFFFFFFFF  }
0x2d: {  	_ =	strace $0x9000004B  }
0x2e: {  	_ =	sfence  }
0x2f: {  	s30 =	sld [smem:$0x0];
	_ =	sdelay $0x2  }
0x30: {  	s31 =	sshll.u32 s1, $0xD;
	s1 =	sshrl.u32 s1, $0x2  }
0x31: {  	s3 =	sand.u32 $0x4000, s31;
	s1 =	sadd.s32 s1, s30  }
0x32: {  	s0 =	sor.u32 s3, s0;
	s1 =	sshll.u32 s1, $0x11  }
0x33: {  	s0 =	sor.u32 s1, s0  }
0x34: {  	s0 =	sadd.s32 $0x8F2B, s0  }
0x35: {  	[sflag:s0] =	ssyncadd.remote.s32 $0x1  }
0x36: {  	_ =	sfence.sel $0xFFFF  }
0x37: {  	[dreg:$0x0] =	wrdreg $0xFFFFFFFF;
	(pc) =	sbr.abs _section_cstart, $3  }
0x38: {  	[dreg:$0x1] =	wrdreg $0xFFFFFFFF  }
0x39: {  	_ =	task.clear_ibuf [dreg:s7], $0x2FFFF;
	_ =	strace $0x9FFFFFFF  }
0x3a: {  	(tm) =	ssettm $0x7FFFFFFF  }
0x3b: {  	_ =	shalt  }
tec
execute0_lowered:
.L_overlay_start_1:
0x0: {  	(tag) =	ssettag $0x1  }
0x1: {  	s0 =	srdreg.scid;
	s6 =	rddreg [dreg:$0x0]  }
0x2: {  	s3 =	rddreg [dreg:$0x1];
	s1 =	sshll.u32 s0, $0x4  }
0x3: {  	s7 =	simm.s32 $0x1;
	s0 =	stileid.u32;
	s1 =	sand.u32 $0x10, s1  }
0x4: {  	s8 =	simm.s32 $0x2;
	s13 =	simm.s32 $0x0;
	s1 =	sor.u32 s0, s1  }
0x5: {  	s12 =	simm.s32 $0x0;
	s10 =	simm.s32 $0x0;
	s2 =	sshll.u32 s1, $0x9  }
0x6: {  	s11 =	simm.s32 $0x0;
	s6 =	sadd.s32 $0x9A00, s6;
	s5 =	ssub.s32 $0x4A000, s2  }
.Ltmp0:
0x7: {  	s1 =	rddreg [dreg:$0x2];
	s4 =	sand.u32 $0x3E00, s5;
	(pc) =	sbr.rel .LBB1_1-.Ltmp0, $4  }
0x8: {  	_ =	strace $0x8000004A;
	s9 =	smov.u32 s2;
	p0 =	sne.s32 s4, $0x0  }
0x9: {  	s5 =	sshrl.u32 s5, $0xE;
	s4 =	simm.s32 $0x1;
	s7 =	simm.s32 @!p0 $0x0  }
0xa: {  	[sflag:s4] =	ssyncpa.u1 $0x0;
	p0 =	por $0x0, $0x0;
	s5 =	sadd.s32 s7, s5  }
0xb: {  	[sflag:s8] =	ssyncpa.u1 $0x0;
	s8 =	simm.s32 $0x80;
	s7 =	sadd.s32 $0x1, s5  }
.LBB1_4:
0xc: {  	_ = 	snop  }
0xd: {  	[tilespmem:s18+$0x2D60 ss:$0x21] =	vst.msk $0xffff, v7  }
0xe: {  	[tilespmem:s18+$0x2F70 ss:$0x21] =	vst.msk $0xffff, v6  }
0xf: {  	[tilespmem:s18+$0x3390 ss:$0x21] =	vst.msk $0xffff, v3  }
0x10: {  	s21 =	sor.u32 s24, s23;
	v31 =	vld.idx.msk [tilespmem:v0+s16+$0xC70 ss:$0x1], $0xffff;
	[tilespmem:s18+$0x35A0 ss:$0x21] =	vst.msk $0xffff, v1  }
0x11: {  	[tilespmem:s18+$0x37B0 ss:$0x21] =	vst.msk $0xffff, v2;
	v43 =	vld.idx.msk [tilespmem:v0+s21+$0x410 ss:$0x1], $0xffff  }
0x12: {  	[tilespmem:s18+$0x39C0 ss:$0x21] =	vst.msk $0xffff, v4;
	v44 =	vld.idx.msk [tilespmem:v0+s21+$0x420 ss:$0x1], $0xffff  }
0x13: {  	[tilespmem:s18+$0x3BD0 ss:$0x21] =	vst.msk $0xffff, v5;
	s22 =	sand.u32 $0x3200, s21;
	v45 =	vld.idx.msk [tilespmem:v0+s21+$0x430 ss:$0x1], $0xffff  }
0x14: {  	s20 =	sand.u32 $0x180, s20;
	s25 =	sshra.s32 s19, $0x2;
	[tilespmem:s18+$0x3DE0 ss:$0x21] =	vst.msk $0xffff, v8;
	v46 =	vld.idx.msk [tilespmem:v0+s21+$0x440 ss:$0x1], $0xffff;
	s15 =	sadd.s32 s22, s15  }
0x15: {  	v47 =	vld.idx.msk [tilespmem:v0+s21+$0x450 ss:$0x1], $0xffff;
	s24 =	sadd.s32 s20, s15;
	s15 =	sadd.s32 s25, s17;
	[tilespmem:s18+$0x3FF0 ss:$0x21] =	vst.msk $0xffff, v31  }
0x16: {  	v48 =	vld.idx.msk [tilespmem:v0+s21+$0x460 ss:$0x1], $0xffff;
	[tilespmem:s15+$0x1290 ss:$0x21] =	vst.msk $0xffff, v43  }
0x17: {  	v49 =	vld.idx.msk [tilespmem:v0+s21+$0x470 ss:$0x1], $0xffff;
	[tilespmem:s15+$0x14A0 ss:$0x21] =	vst.msk $0xffff, v44  }
0x18: {  	v50 =	vld.idx.msk [tilespmem:v0+s21+$0x810 ss:$0x1], $0xffff;
	[tilespmem:s15+$0x16B0 ss:$0x21] =	vst.msk $0xffff, v45  }
0x19: {  	v51 =	vld.idx.msk [tilespmem:v0+s21+$0x820 ss:$0x1], $0xffff;
	[tilespmem:s15+$0x18C0 ss:$0x21] =	vst.msk $0xffff, v46  }
0x1a: {  	v52 =	vld.idx.msk [tilespmem:v0+s21+$0x830 ss:$0x1], $0xffff;
	[tilespmem:s15+$0x1AD0 ss:$0x21] =	vst.msk $0xffff, v47  }
0x1b: {  	v53 =	vld.idx.msk [tilespmem:v0+s21+$0x840 ss:$0x1], $0xffff;
	[tilespmem:s15+$0x1CE0 ss:$0x21] =	vst.msk $0xffff, v48  }
0x1c: {  	v54 =	vld.idx.msk [tilespmem:v0+s21+$0x850 ss:$0x1], $0xffff;
	[tilespmem:s15+$0x1EF0 ss:$0x21] =	vst.msk $0xffff, v49  }
0x1d: {  	v55 =	vld.idx.msk [tilespmem:v0+s21+$0x860 ss:$0x1], $0xffff;
	[tilespmem:s15+$0x2310 ss:$0x21] =	vst.msk $0xffff, v50  }
0x1e: {  	v56 =	vld.idx.msk [tilespmem:v0+s21+$0x870 ss:$0x1], $0xffff;
	[tilespmem:s15+$0x2520 ss:$0x21] =	vst.msk $0xffff, v51  }
0x1f: {  	v57 =	vld.idx.msk [tilespmem:v0+s21+$0xC10 ss:$0x1], $0xffff;
	[tilespmem:s15+$0x2730 ss:$0x21] =	vst.msk $0xffff, v52  }
0x20: {  	v58 =	vld.idx.msk [tilespmem:v0+s21+$0xC20 ss:$0x1], $0xffff;
	[tilespmem:s15+$0x2940 ss:$0x21] =	vst.msk $0xffff, v53  }
0x21: {  	v59 =	vld.idx.msk [tilespmem:v0+s21+$0xC30 ss:$0x1], $0xffff;
	[tilespmem:s15+$0x2B50 ss:$0x21] =	vst.msk $0xffff, v54  }
0x22: {  	v60 =	vld.idx.msk [tilespmem:v0+s21+$0xC40 ss:$0x1], $0xffff;
	[tilespmem:s15+$0x2D60 ss:$0x21] =	vst.msk $0xffff, v55  }
0x23: {  	v61 =	vld.idx.msk [tilespmem:v0+s21+$0xC50 ss:$0x1], $0xffff;
	[tilespmem:s15+$0x2F70 ss:$0x21] =	vst.msk $0xffff, v56  }
0x24: {  	v62 =	vld.idx.msk [tilespmem:v0+s21+$0xC60 ss:$0x1], $0xffff;
	[tilespmem:s15+$0x3390 ss:$0x21] =	vst.msk $0xffff, v57  }
0x25: {  	v63 =	vld.idx.msk [tilespmem:v0+s21+$0xC70 ss:$0x1], $0xffff;
	[tilespmem:s15+$0x35A0 ss:$0x21] =	vst.msk $0xffff, v58  }
0x26: {  	v32 =	vld [tilespmem:s24+$0xC00];
	[tilespmem:s15+$0x37B0 ss:$0x21] =	vst.msk $0xffff, v59  }
0x27: {  	v33 =	vld [tilespmem:s24+$0x0];
	[tilespmem:s15+$0x39C0 ss:$0x21] =	vst.msk $0xffff, v60  }
0x28: {  	v34 =	vld [tilespmem:s24+$0x10];
	[tilespmem:s15+$0x3BD0 ss:$0x21] =	vst.msk $0xffff, v61  }
0x29: {  	s13 =	sshll.u32 s13, $0x7;
	s26 =	sshll.u32 s12, $0x3;
	v35 =	vld [tilespmem:s24+$0x20];
	[tilespmem:s15+$0x3DE0 ss:$0x21] =	vst.msk $0xffff, v62  }
0x2a: {  	s27 =	sand.u32 $0xFFFFFC00, s13;
	s16 =	sand.u32 $0xFFFFFC00, s26;
	v36 =	vld [tilespmem:s24+$0x30];
	[tilespmem:s15+$0x3FF0 ss:$0x21] =	vst.msk $0xffff, v63  }
0x2b: {  	s13 =	sand.u32 $0x380, s13;
	s16 =	sadd.s32 s16, s27;
	v37 =	vld [tilespmem:s24+$0x40];
	[tilespmem:s15+$0x3180 ss:$0x21] =	vst.msk $0xffff, v32  }
0x2c: {  	s13 =	sor.u32 s13, s16;
	v38 =	vld [tilespmem:s24+$0x50];
	[tilespmem:s15+$0x0 ss:$0x21] =	vst.msk $0xffff, v33  }
0x2d: {  	v39 =	vld [tilespmem:s24+$0x60];
	s13 =	sshrl.u32 s13, $0x7;
	[tilespmem:s15+$0x210 ss:$0x21] =	vst.msk $0xffff, v34  }
0x2e: {  	v40 =	vld [tilespmem:s24+$0x70];
	s28 =	smulhi.u32 $0xDD67C9, s13;
	[tilespmem:s15+$0x420 ss:$0x21] =	vst.msk $0xffff, v35  }
0x2f: {  	v41 =	vld [tilespmem:s24+$0x400];
	[tilespmem:s15+$0x630 ss:$0x21] =	vst.msk $0xffff, v36  }
0x30: {  	v42 =	vld [tilespmem:s24+$0x800];
	s16 =	sshrl.u32 s28, $0xA;
	[tilespmem:s15+$0x840 ss:$0x21] =	vst.msk $0xffff, v37  }
0x31: {  	s16 =	smul.u32 $0x4A000, s16;
	[tilespmem:s15+$0xA50 ss:$0x21] =	vst.msk $0xffff, v38  }
0x32: {  	s29 =	sshrl.u32 s12, $0x3;
	[tilespmem:s15+$0xC60 ss:$0x21] =	vst.msk $0xffff, v39  }
0x33: {  	s31 =	sand.u32 $0x7, s12;
	s30 =	sand.u32 $0xF, s29;
	[tilespmem:s15+$0xE70 ss:$0x21] =	vst.msk $0xffff, v40;
	s13 =	ssub.s32 s13, s16  }
0x34: {  	s12 =	sshll.u32 s31, $0x12;
	[tilespmem:s15+$0x1080 ss:$0x21] =	vst.msk $0xffff, v41;
	s16 =	sadd.s32 s3, s30;
	s13 =	sshll.u32 s13, $0x4  }
0x35: {  	s12 =	sor.u32 $0x20, s12;
	[tilespmem:s15+$0x2100 ss:$0x21] =	vst.msk $0xffff, v42;
	s13 =	sadd.s32 s13, s16  }
0x36: {  	[hbm4b:s13+s12] =	stream.strided.scatter [tilespmem:s14], [sflag:$0x2], $0x4000, s8, s12, $0x10;
	[tilespmem:$0x10400] =	vst v63  }
.LBB1_5:
0x37: {  	s14 =	sadd.s32 $0x4000, s9  }
0x38: {  	s12 =	sadd.s32 $0x20, s10;
	s16 =	smov.u32 s10;
	p2 =	sgt.s32 s14, $0x49FFF  }
0x39: {  	s16 =	smov.u32 @p2 s12  }
0x3a: {  	s14 =	smov.u32 @p2 s2;
	p2 =	sgt.s32 s16, $0x1F  }
0x3b: {  	s16 =	simm.s32 @p2 $0x0;
	p2 =	sne.s32 s11, s7  }
.Ltmp1:
0x3c: {  	p1 =	slt.u32 s11, $0x2;
	(pc) =	sbr.rel @!p2 .LBB1_6-.Ltmp1, $4  }
0x3d: {  	s15 =	simm.s32 @!p1 $0x2  }
0x3e: {  	s13 =	smov.u32 s9;
	p0 =	por !p0, !p0;
	_ =	swait.ge @!p1 [sflag:s15], $0x4000  }
0x3f: {  	s12 =	smov.u32 s10;
	[sflag:s15] =	ssyncset.done @!p1 $0x0;
	s9 =	smov.u32 s14  }
0x40: {  	s11 =	sadd.s32 $0x1, s11;
	[sflag:s15] =	ssyncadd.s32 @!p1 $0xFFFFC000;
	s10 =	smov.u32 s16  }
.LBB1_1:
0x41: {  	p1 =	sge.u32 s11, s5  }
0x42: {  	s14 =	sshrl.u32 @!p1 s10, $0x3  }
0x43: {  	s15 =	sshll.u32 @!p1 s9, $0x3;
	s14 =	smul.u32 @!p1 $0x250000, s14  }
0x44: {  	s15 =	sand.u32 @!p1 $0xFFFFFC00, s15  }
0x45: {  	s14 =	sadd.s32 @!p1 s14, s15  }
0x46: {  	s15 =	sshrl.u32 @!p1 s14, $0xD  }
0x47: {  	s16 =	sshll.u32 @!p1 s10, $0x7;
	s15 =	smulhi.u32 @!p1 $0x6EB3E46, s15  }
0x48: {  	s17 =	sand.u32 @!p1 $0x7F, s9;
	s16 =	sand.u32 @!p1 $0x380, s16  }
0x49: {  	s16 =	sor.u32 @!p1 s17, s16;
	s17 =	smul.u32 @!p1 $0x4A000, s15  }
0x4a: {  	s31 =	sadd.s32 $0xFFFFFFFF, s11;
	s14 =	sor.u32 @!p1 s14, s16;
	s16 =	sxor.u32 @!p1 $0xFFFFFFFF, s11  }
0x4b: {  	s16 =	sshll.u32 @!p1 s16, $0xE;
	s15 =	sand.u32 @!p1 $0x1F, s15;
	s14 =	ssub.s32 @!p1 s14, s17  }
0x4c: {  	s15 =	smul.u32 @!p1 $0x9400, s15;
	s17 =	sshrl.u32 @!p1 s14, $0x3;
	s14 =	sand.u32 @!p1 $0x7, s14  }
0x4d: {  	s16 =	sand.u32 @!p1 $0x4000, s16;
	s17 =	sadd.s32 @!p1 s6, s17;
	s14 =	sshll.u32 @!p1 s14, $0x12  }
0x4e: {  	s15 =	sadd.s32 @!p1 s15, s17;
	s14 =	sor.u32 @!p1 $0x1000, s14;
	s17 =	simm.s32 @!p1 $0x250000  }
0x4f: {  	[tilespmem:s16], [sflag:$0x1] =	stream.strided.gather @!p1 [hbm4b:s15+s14], $0x4000, s17, s14, $0x38;
	[tilespmem:$0x10400] =	vst v63  }
0x50: {  	p1 =	sge.u32 s31, s5  }
.Ltmp2:
0x51: {  	_ = 	snop;
	(pc) =	sbr.rel @p1 .LBB1_5-.Ltmp2, $1  }
0x52: {  	_ =	sdelay $0x3  }
0x53: {  	s17 =	simm.s32 $0x0  }
0x54: {  	s16 =	sand.u32 $0x3000, s17;
	s18 =	sand.u32 $0x380, s17  }
0x55: {  	s14 =	sand.u32 $0x1, s11;
	s16 =	sor.u32 s18, s16  }
0x56: {  	_ =	swait.ge [sflag:s4], $0x4000;
	s15 =	sshll.u32 s14, $0xE;
	s18 =	sand.u32 $0x3200, s16  }
0x57: {  	[sflag:s4] =	ssyncset.done $0x0;
	s17 =	sand.u32 $0x180, s17;
	s18 =	sadd.s32 s18, s15  }
0x58: {  	[sflag:s4] =	ssyncadd.s32 $0xFFFFC000;
	s20 =	sadd.s32 s17, s18  }
0x59: {  	v4 =	vld [tilespmem:s20+$0xC00]  }
0x5a: {  	s19 =	simm.s32 $0x1;
	v0 =	vmov s15;
	v5 =	vld [tilespmem:s20+$0x0]  }
0x5b: {  	s19 =	simm.s32 @!p0 $0x0;
	v6 =	vld [tilespmem:s20+$0x10]  }
0x5c: {  	s31 =	smul.u32 $0x10800, s19;
	v7 =	vld [tilespmem:s20+$0x20]  }
0x5d: {  	v8 =	vld [tilespmem:s20+$0x30]  }
0x5e: {  	s17 =	sshrl.u32 s31, $0x2;
	v9 =	vld [tilespmem:s20+$0x40]  }
0x5f: {  	s17 =	sor.u32 $0x8000, s17;
	v1 =	vld.idx.msk [tilespmem:v0+s16+$0x410 ss:$0x1], $0xffff  }
0x60: {  	v2 =	vld.idx.msk [tilespmem:v0+s16+$0x420 ss:$0x1], $0xffff;
	s18 =	sadd.s32 $0x0, s17  }
0x61: {  	v3 =	vld.idx.msk [tilespmem:v0+s16+$0x430 ss:$0x1], $0xffff;
	[tilespmem:s18+$0x3180 ss:$0x21] =	vst.msk $0xffff, v4  }
0x62: {  	v10 =	vld.idx.msk [tilespmem:v0+s16+$0x820 ss:$0x1], $0xffff;
	[tilespmem:s18+$0x0 ss:$0x21] =	vst.msk $0xffff, v5  }
0x63: {  	v11 =	vld.idx.msk [tilespmem:v0+s16+$0x830 ss:$0x1], $0xffff;
	[tilespmem:s18+$0x210 ss:$0x21] =	vst.msk $0xffff, v6  }
0x64: {  	v12 =	vld.idx.msk [tilespmem:v0+s16+$0x840 ss:$0x1], $0xffff;
	[tilespmem:s18+$0x420 ss:$0x21] =	vst.msk $0xffff, v7  }
0x65: {  	v13 =	vld.idx.msk [tilespmem:v0+s16+$0x850 ss:$0x1], $0xffff;
	[tilespmem:s18+$0x630 ss:$0x21] =	vst.msk $0xffff, v8  }
0x66: {  	v4 =	vld [tilespmem:s20+$0x50];
	[tilespmem:s18+$0x840 ss:$0x21] =	vst.msk $0xffff, v9  }
0x67: {  	v5 =	vld [tilespmem:s20+$0x60];
	[tilespmem:s18+$0x1290 ss:$0x21] =	vst.msk $0xffff, v1  }
0x68: {  	v6 =	vld [tilespmem:s20+$0x70];
	[tilespmem:s18+$0x14A0 ss:$0x21] =	vst.msk $0xffff, v2  }
0x69: {  	v7 =	vld [tilespmem:s20+$0x400];
	[tilespmem:s18+$0x16B0 ss:$0x21] =	vst.msk $0xffff, v3  }
0x6a: {  	v8 =	vld [tilespmem:s20+$0x800];
	[tilespmem:s18+$0x2520 ss:$0x21] =	vst.msk $0xffff, v10  }
0x6b: {  	v9 =	vld.idx.msk [tilespmem:v0+s16+$0x470 ss:$0x1], $0xffff;
	[tilespmem:s18+$0x2730 ss:$0x21] =	vst.msk $0xffff, v11  }
0x6c: {  	v3 =	vld.idx.msk [tilespmem:v0+s16+$0xC10 ss:$0x1], $0xffff;
	[tilespmem:s18+$0x2940 ss:$0x21] =	vst.msk $0xffff, v12  }
0x6d: {  	v1 =	vld.idx.msk [tilespmem:v0+s16+$0xC20 ss:$0x1], $0xffff;
	[tilespmem:s18+$0x2B50 ss:$0x21] =	vst.msk $0xffff, v13  }
0x6e: {  	v2 =	vld.idx.msk [tilespmem:v0+s16+$0xC30 ss:$0x1], $0xffff;
	[tilespmem:s18+$0xA50 ss:$0x21] =	vst.msk $0xffff, v4  }
0x6f: {  	[tilespmem:s18+$0xE70 ss:$0x21] =	vst.msk $0xffff, v6;
	v6 =	vld.idx.msk [tilespmem:v0+s16+$0x460 ss:$0x1], $0xffff  }
0x70: {  	v4 =	vld.idx.msk [tilespmem:v0+s16+$0x440 ss:$0x1], $0xffff;
	[tilespmem:s18+$0xC60 ss:$0x21] =	vst.msk $0xffff, v5  }
0x71: {  	v5 =	vld.idx.msk [tilespmem:v0+s16+$0x450 ss:$0x1], $0xffff;
	[tilespmem:s18+$0x1080 ss:$0x21] =	vst.msk $0xffff, v7  }
0x72: {  	[tilespmem:s18+$0x2100 ss:$0x21] =	vst.msk $0xffff, v8;
	v8 =	vld.idx.msk [tilespmem:v0+s16+$0x810 ss:$0x1], $0xffff  }
0x73: {  	v7 =	vld.idx.msk [tilespmem:v0+s16+$0x860 ss:$0x1], $0xffff;
	[tilespmem:s18+$0x1EF0 ss:$0x21] =	vst.msk $0xffff, v9  }
0x74: {  	s14 =	smul.u32 $0x10800, s14;
	[tilespmem:s18+$0x1CE0 ss:$0x21] =	vst.msk $0xffff, v6;
	v6 =	vld.idx.msk [tilespmem:v0+s16+$0x870 ss:$0x1], $0xffff  }
0x75: {  	s21 =	simm.s32 $0x200;
	s22 =	simm.s32 $0x8;
	[tilespmem:s18+$0x18C0 ss:$0x21] =	vst.msk $0xffff, v4;
	v4 =	vld.idx.msk [tilespmem:v0+s16+$0xC40 ss:$0x1], $0xffff  }
0x76: {  	s23 =	sand.u32 $0x3000, s21;
	s14 =	sshrl.u32 s14, $0x2;
	s20 =	simm.s32 $0x80;
	[tilespmem:s18+$0x1AD0 ss:$0x21] =	vst.msk $0xffff, v5;
	v5 =	vld.idx.msk [tilespmem:v0+s16+$0xC50 ss:$0x1], $0xffff  }
0x77: {  	s19 =	simm.s32 $0x4;
	s14 =	sor.u32 $0x8000, s14;
	s24 =	sand.u32 $0x380, s20;
	[tilespmem:s18+$0x2310 ss:$0x21] =	vst.msk $0xffff, v8;
	v8 =	vld.idx.msk [tilespmem:v0+s16+$0xC60 ss:$0x1], $0xffff  }
.LBB1_3:
0x78: {  	p1 =	sne.s32 s22, $0x7C;
	[tilespmem:s18+$0x2D60 ss:$0x21] =	vst.msk $0xffff, v7;
	v7 =	vld.idx.msk [tilespmem:v0+s16+$0xC70 ss:$0x1], $0xffff;
	s16 =	sor.u32 s24, s23  }
0x79: {  	s23 =	sand.u32 $0x3200, s16;
	v9 =	vld.idx.msk [tilespmem:v0+s16+$0x410 ss:$0x1], $0xffff;
	[tilespmem:s18+$0x2F70 ss:$0x21] =	vst.msk $0xffff, v6  }
0x7a: {  	s24 =	sand.u32 $0x180, s20;
	s23 =	sadd.s32 s23, s15;
	v6 =	vld.idx.msk [tilespmem:v0+s16+$0x420 ss:$0x1], $0xffff;
	[tilespmem:s18+$0x3390 ss:$0x21] =	vst.msk $0xffff, v3  }
0x7b: {  	s23 =	sadd.s32 s24, s23;
	v3 =	vld.idx.msk [tilespmem:v0+s16+$0x430 ss:$0x1], $0xffff;
	[tilespmem:s18+$0x35A0 ss:$0x21] =	vst.msk $0xffff, v1  }
0x7c: {  	v1 =	vld [tilespmem:s23+$0xC00];
	[tilespmem:s18+$0x37B0 ss:$0x21] =	vst.msk $0xffff, v2  }
0x7d: {  	v2 =	vld [tilespmem:s23+$0x0];
	[tilespmem:s18+$0x39C0 ss:$0x21] =	vst.msk $0xffff, v4  }
0x7e: {  	v4 =	vld [tilespmem:s23+$0x10];
	[tilespmem:s18+$0x3BD0 ss:$0x21] =	vst.msk $0xffff, v5  }
0x7f: {  	s24 =	sshra.s32 s19, $0x2;
	s19 =	smov.u32 s22;
	v5 =	vld [tilespmem:s23+$0x20];
	[tilespmem:s18+$0x3DE0 ss:$0x21] =	vst.msk $0xffff, v8  }
0x80: {  	v8 =	vld [tilespmem:s23+$0x30];
	[tilespmem:s18+$0x3FF0 ss:$0x21] =	vst.msk $0xffff, v7;
	s18 =	sadd.s32 s24, s17  }
0x81: {  	v7 =	vld [tilespmem:s23+$0x40];
	[tilespmem:s18+$0x3180 ss:$0x21] =	vst.msk $0xffff, v1  }
0x82: {  	[tilespmem:s18+$0x0 ss:$0x21] =	vst.msk $0xffff, v2;
	v1 =	vld [tilespmem:s23+$0x50]  }
0x83: {  	[tilespmem:s18+$0x210 ss:$0x21] =	vst.msk $0xffff, v4;
	v2 =	vld [tilespmem:s23+$0x60]  }
0x84: {  	[tilespmem:s18+$0x420 ss:$0x21] =	vst.msk $0xffff, v5;
	v4 =	vld [tilespmem:s23+$0x70]  }
0x85: {  	[tilespmem:s18+$0x630 ss:$0x21] =	vst.msk $0xffff, v8;
	v5 =	vld [tilespmem:s23+$0x400]  }
0x86: {  	[tilespmem:s18+$0x840 ss:$0x21] =	vst.msk $0xffff, v7;
	v7 =	vld [tilespmem:s23+$0x800]  }
0x87: {  	[tilespmem:s18+$0xA50 ss:$0x21] =	vst.msk $0xffff, v1;
	v1 =	vld.idx.msk [tilespmem:v0+s16+$0x440 ss:$0x1], $0xffff  }
0x88: {  	[tilespmem:s18+$0xC60 ss:$0x21] =	vst.msk $0xffff, v2;
	v2 =	vld.idx.msk [tilespmem:v0+s16+$0x450 ss:$0x1], $0xffff  }
0x89: {  	[tilespmem:s18+$0xE70 ss:$0x21] =	vst.msk $0xffff, v4;
	v4 =	vld.idx.msk [tilespmem:v0+s16+$0x460 ss:$0x1], $0xffff  }
0x8a: {  	[tilespmem:s18+$0x1080 ss:$0x21] =	vst.msk $0xffff, v5;
	v5 =	vld.idx.msk [tilespmem:v0+s16+$0x470 ss:$0x1], $0xffff  }
0x8b: {  	[tilespmem:s18+$0x2100 ss:$0x21] =	vst.msk $0xffff, v7;
	v8 =	vld.idx.msk [tilespmem:v0+s16+$0x810 ss:$0x1], $0xffff  }
0x8c: {  	[tilespmem:s18+$0x1290 ss:$0x21] =	vst.msk $0xffff, v9;
	v9 =	vld.idx.msk [tilespmem:v0+s16+$0x820 ss:$0x1], $0xffff  }
0x8d: {  	[tilespmem:s18+$0x14A0 ss:$0x21] =	vst.msk $0xffff, v6;
	v10 =	vld.idx.msk [tilespmem:v0+s16+$0x830 ss:$0x1], $0xffff  }
0x8e: {  	[tilespmem:s18+$0x16B0 ss:$0x21] =	vst.msk $0xffff, v3;
	v11 =	vld.idx.msk [tilespmem:v0+s16+$0x840 ss:$0x1], $0xffff  }
0x8f: {  	[tilespmem:s18+$0x18C0 ss:$0x21] =	vst.msk $0xffff, v1;
	v12 =	vld.idx.msk [tilespmem:v0+s16+$0x850 ss:$0x1], $0xffff  }
0x90: {  	[tilespmem:s18+$0x1AD0 ss:$0x21] =	vst.msk $0xffff, v2;
	v7 =	vld.idx.msk [tilespmem:v0+s16+$0x860 ss:$0x1], $0xffff  }
0x91: {  	[tilespmem:s18+$0x1CE0 ss:$0x21] =	vst.msk $0xffff, v4;
	v6 =	vld.idx.msk [tilespmem:v0+s16+$0x870 ss:$0x1], $0xffff  }
0x92: {  	[tilespmem:s18+$0x1EF0 ss:$0x21] =	vst.msk $0xffff, v5;
	v3 =	vld.idx.msk [tilespmem:v0+s16+$0xC10 ss:$0x1], $0xffff  }
.Ltmp3:
0x93: {  	[tilespmem:s18+$0x2310 ss:$0x21] =	vst.msk $0xffff, v8;
	v1 =	vld.idx.msk [tilespmem:v0+s16+$0xC20 ss:$0x1], $0xffff;
	(pc) =	sbr.rel @p1 .LBB1_3-.Ltmp3, $4  }
0x94: {  	[tilespmem:s18+$0x2520 ss:$0x21] =	vst.msk $0xffff, v9;
	v2 =	vld.idx.msk [tilespmem:v0+s16+$0xC30 ss:$0x1], $0xffff  }
0x95: {  	[tilespmem:s18+$0x2730 ss:$0x21] =	vst.msk $0xffff, v10;
	v4 =	vld.idx.msk [tilespmem:v0+s16+$0xC40 ss:$0x1], $0xffff  }
0x96: {  	s20 =	sadd.s32 $0x80, s20;
	s21 =	sadd.s32 $0x200, s21;
	[tilespmem:s18+$0x2940 ss:$0x21] =	vst.msk $0xffff, v11;
	v5 =	vld.idx.msk [tilespmem:v0+s16+$0xC50 ss:$0x1], $0xffff  }
0x97: {  	s22 =	sadd.s32 $0x4, s22;
	s24 =	sand.u32 $0x380, s20;
	s23 =	sand.u32 $0x3000, s21;
	[tilespmem:s18+$0x2B50 ss:$0x21] =	vst.msk $0xffff, v12;
	v8 =	vld.idx.msk [tilespmem:v0+s16+$0xC60 ss:$0x1], $0xffff  }
.Ltmp4:
0x98: {  	_ = 	snop;
	(pc) =	sbr.rel .LBB1_4-.Ltmp4, $1  }
0x99: {  	_ =	sdelay $0x3  }
.LBB1_6:
0x9a: {  	_ =	sfence.sel $0x180000  }
0x9b: {  	s2 =	simm.s32 $0x1;
	[bflag:$0x0] =	sbarrier.arrive $0xFFFF  }
0x9c: {  	s31 =	simm.s32 $0x2;
	[sflag:s2] =	ssyncpa.u1 $0x1  }
0x9d: {  	[sflag:s31] =	ssyncpa.u1 $0x1  }
0x9e: {  	p0 =	sne.s32 s0, $0x0;
	_ =	strace $0x9000004A  }
0x9f: {  	s0 =	sadd.s32 @!p0 $0x100000, s1;
	[bflag:$0x2] =	sbarrier.arrive $0xFFFF  }
0xa0: {  	[sflag:s0] =	ssyncadd.tile.s32 @!p0 $0x1;
	_ =	shalt  }
.Lfunc_end1:
_tile_overlayer_lowered:
.L_overlay_start_2:
0xa1: {  	(tag) =	ssettag $0x2  }
0xa2: {  	s0 =	rddreg [dreg:$0x0];
	s2 =	stileid.u32  }
0xa3: {  	s1 =	rddreg [dreg:$0x1];
	p0 =	sne.s32 s2, $0x0  }
0xa4: {  	s3 =	rddreg [dreg:$0x2];
	[bflag:$0x3] =	sbarrier.arrive $0xFFFF;
	s2 =	simm.s32 @!p0 $0x1C01  }
0xa5: {  	[timem:s3], [sflag:s2] =	dma.local @!p0 [hbm:s0], s1  }
0xa6: {  	s0 =	simm.s32 @!p0 $0x1  }
0xa7: {  	_ =	swait.ge @!p0 [sflag:s0], s1  }
0xa8: {  	s1 =	ssub.s32 @!p0 $0x0, s1;
	[sflag:s0] =	ssyncset.done @!p0 $0x0  }
0xa9: {  	[sflag:s0] =	ssyncadd.s32 @!p0 s1  }
0xaa: {  	[bflag:$0x3] =	sbarrier.arrive $0xFFFF  }
0xab: {  	_ =	shalt  }

// kernel: sparse-core-data-format-call.2.cloned.1.call-start
scs
called_computation.3_lowered:
.L_overlay_start_0:
0x0: {  	s2 =	sld [smem:$0x3FD9]  }
0x1: {  	s3 =	sld [smem:$0x3FFE];
	_ =	sdelay $0x1  }
0x2: {  	s1 =	srdreg.scid  }
0x3: {  	s0 =	sand.u32 $0x1, s1  }
0x4: {  	s18 =	sshll.u32 s0, $0xA;
	s2 =	sadd.s32 s3, s2  }
0x5: {  	s2 =	sadd.s32 s2, s18  }
0x6: {  	[smem:$0x3FC1] =	sst s2  }
0x7: {  	_ = 	snop  }
0x8: {  	s2 =	sld [smem:$0x3FD0];
	(tm) =	ssettm $0x1  }
0x9: {  	s19 =	sld [smem:$0x3FFB];
	_ =	sdelay $0x3  }
0xa: {  	_ =	strace s19  }
0xb: {  	s3 =	sld [smem:$0x3FFC];
	_ =	sdelay $0x3  }
0xc: {  	_ =	strace s3  }
0xd: {  	s3 =	sld [smem:$0x3FFD];
	_ =	sdelay $0x3  }
0xe: {  	_ =	strace s3  }
0xf: {  	_ =	strace $0x8FFFFFFF  }
0x10: {  	s20 =	sld [smem:$0x3FDB];
	_ =	sdelay $0x1  }
0x11: {  	s4 =	simm.s32 $_scs_section_size  }
0x12: {  	s5 =	simm.s32 $_size__tile_overlayer_lowered;
	s6 =	simm.s32 $_tile_overlayer_lowered  }
0x13: {  	s23 =	simm.s32 $0x1BFF;
	s22 =	sshll.u32 s6, $0x1;
	s3 =	sadd.s32 s4, s20  }
0x14: {  	s7 =	simm.s32 $0x0;
	s21 =	sshll.u32 s5, $0x1;
	s5 =	sadd.s32 s22, s3  }
0x15: {  	[timem:s7], [sflag:s23] =	dma.local [hbm:s5], s21  }
0x16: {  	_ =	swait.ge [sflag:s23], s21  }
0x17: {  	s4 =	ssub.s32 $0x0, s21;
	[sflag:s23] =	ssyncset.done $0x0  }
0x18: {  	[sflag:s23] =	ssyncadd.s32 s4;
	_ =	sdelay $0x1  }
0x19: {  	s24 =	simm.s32 $0x1B8B  }
0x1a: {  	_ =	swait.ge [sflag:s24], $0x1  }
0x1b: {  	[sflag:s24] =	ssyncset.done $0x0  }
0x1c: {  	s26 =	simm.s32 $0x1B8E;
	s25 =	sld [smem:$0x3FFE];
	[sflag:s24] =	ssyncadd.s32 $0xFFFFFFFF  }
0x1d: {  	s27 =	simm.s32 $execute0_lowered;
	[smem:$0x3FD2] =	sst s26  }
0x1e: {  	s5 =	sshll.u32 s27, $0x1;
	_ =	strace $0x80000046;
	[dreg:$0x1] =	wrdreg $0xFFFFFFFF  }
0x1f: {  	s28 =	simm.s32 $_size_execute0_lowered;
	s3 =	sadd.s32 s3, s5;
	[dreg:$0x0] =	wrdreg $0x0  }
0x20: {  	s5 =	sshll.u32 s28, $0x1;
	[dreg:$0x2] =	wrdreg s3  }
0x21: {  	[dreg:$0x3] =	wrdreg s5  }
0x22: {  	[dreg:$0x4] =	wrdreg $0xC0  }
0x23: {  	_ =	task [dreg:s7], $0x5FFFF  }
0x24: {  	[dreg:$0x1] =	wrdreg $0xFFFFFFFF  }
0x25: {  	[dreg:$0x0] =	wrdreg $0x60  }
0x26: {  	[dreg:$0x2] =	wrdreg s2  }
0x27: {  	[dreg:$0x3] =	wrdreg s25  }
0x28: {  	[dreg:$0x4] =	wrdreg $0x9  }
0x29: {  	_ =	task.clear_ibuf [dreg:s7], $0x5FFFF;
	_ =	strace $0x90000046  }
0x2a: {  	s29 =	simm.s32 $0x9;
	_ =	strace $0x80000048  }
0x2b: {  	_ =	swait.ge [sflag:s29], $0x1  }
0x2c: {  	[sflag:s29] =	ssyncadd.s32 $0xFFFFFFFF  }
0x2d: {  	_ =	strace $0x90000048  }
0x2e: {  	_ =	sfence  }
0x2f: {  	s30 =	sld [smem:$0x0];
	_ =	sdelay $0x2  }
0x30: {  	s31 =	sshll.u32 s1, $0xD;
	s1 =	sshrl.u32 s1, $0x2  }
0x31: {  	s3 =	sand.u32 $0x4000, s31;
	s1 =	sadd.s32 s1, s30  }
0x32: {  	s0 =	sor.u32 s3, s0;
	s1 =	sshll.u32 s1, $0x11  }
0x33: {  	s0 =	sor.u32 s1, s0  }
0x34: {  	s0 =	sadd.s32 $0x8F2B, s0  }
0x35: {  	[sflag:s0] =	ssyncadd.remote.s32 $0x1  }
0x36: {  	_ =	sfence.sel $0xFFFF  }
0x37: {  	[dreg:$0x0] =	wrdreg $0xFFFFFFFF;
	(pc) =	sbr.abs _section_cstart, $3  }
0x38: {  	[dreg:$0x1] =	wrdreg $0xFFFFFFFF  }
0x39: {  	_ =	task.clear_ibuf [dreg:s7], $0x2FFFF;
	_ =	strace $0x9FFFFFFF  }
0x3a: {  	(tm) =	ssettm $0x7FFFFFFF  }
0x3b: {  	_ =	shalt  }
tec
execute0_lowered:
.L_overlay_start_1:
0x0: {  	(tag) =	ssettag $0x1  }
0x1: {  	s0 =	stileid.u32  }
0x2: {  	s1 =	srdreg.scid;
	s2 =	rddreg [dreg:$0x0]  }
0x3: {  	s5 =	rddreg [dreg:$0x1];
	s31 =	simm.s32 $0x2;
	s16 =	simm.s32 $0x0  }
0x4: {  	s10 =	simm.s32 $0x0;
	s18 =	simm.s32 $0x0;
	s17 =	simm.s32 $0x0  }
0x5: {  	s19 =	simm.s32 $0x0;
	s3 =	sshll.u32 s0, $0x8;
	s1 =	sshll.u32 s1, $0xC  }
0x6: {  	s12 =	simm.s32 $0x0;
	s15 =	simm.s32 $0x0;
	s1 =	sor.u32 s3, s1  }
0x7: {  	s4 =	sand.u32 $0x1, s0;
	s5 =	sadd.s32 $0x9A00, s5;
	s3 =	sand.u32 $0x1800, s1  }
0x8: {  	s30 =	sshrl.u32 s0, $0x1;
	s7 =	ssub.s32 $0x2, s4;
	s6 =	ssub.s32 $0x25000, s3  }
0x9: {  	s14 =	smov.u32 s4;
	s9 =	sshrl.u32 s7, $0x1;
	s8 =	sand.u32 $0x1800, s6  }
0xa: {  	s7 =	sand.u32 $0x1, s7;
	p0 =	sne.s32 s8, $0x0;
	s8 =	simm.s32 $0x1  }
.Ltmp0:
0xb: {  	s6 =	sshrl.u32 s6, $0xD;
	s8 =	simm.s32 @!p0 $0x0;
	(pc) =	sbr.rel .LBB1_1-.Ltmp0, $4  }
0xc: {  	s1 =	rddreg [dreg:$0x2];
	s7 =	sadd.s32 s7, s9;
	s8 =	sadd.s32 s8, s6  }
0xd: {  	_ =	strace $0x80000047;
	s6 =	simm.s32 $0x1;
	s7 =	smul.u32 s7, s8  }
0xe: {  	s11 =	smov.u32 s3;
	s8 =	sand.u32 $0x3, s30;
	[sflag:s6] =	ssyncpa.u1 $0x0  }
0xf: {  	[sflag:s31] =	ssyncpa.u1 $0x0;
	s13 =	smov.u32 s8;
	s9 =	sadd.s32 $0x1, s7  }
.LBB1_7:
0x10: {  	s20 =	sadd.s32 $0x2000, s11  }
0x11: {  	s16 =	sadd.s32 $0x8, s12;
	s21 =	smov.u32 s12;
	p1 =	sgt.s32 s20, $0x24FFF  }
0x12: {  	s21 =	smov.u32 @p1 s16  }
0x13: {  	s22 =	smov.u32 s13;
	s16 =	sadd.s32 $0x4, s13;
	p2 =	sgt.s32 s21, $0x7  }
0x14: {  	s22 =	smov.u32 @p2 s16  }
0x15: {  	s23 =	smov.u32 s14;
	s16 =	sadd.s32 $0x2, s14;
	p3 =	sgt.s32 s22, $0x3  }
0x16: {  	p0 =	slt.u32 s15, $0x2;
	s23 =	smov.u32 @p3 s16  }
0x17: {  	s18 =	smov.u32 s12;
	s20 =	smov.u32 @p1 s3;
	p1 =	sgt.s32 s23, $0x1  }
0x18: {  	s24 =	simm.s32 @!p0 $0x2;
	s23 =	smov.u32 @p1 s4;
	p1 =	sne.s32 s15, s9  }
.Ltmp1:
0x19: {  	s17 =	smov.u32 s13;
	_ =	swait.ge @!p0 [sflag:s24], $0x4000;
	(pc) =	sbr.rel @!p1 .LBB1_8-.Ltmp1, $4  }
0x1a: {  	s19 =	smov.u32 s14;
	[sflag:s24] =	ssyncset.done @!p0 $0x0;
	s21 =	simm.s32 @p2 $0x0  }
0x1b: {  	s10 =	sadd.s32 $0x4000, s10;
	[sflag:s24] =	ssyncadd.s32 @!p0 $0xFFFFC000;
	s12 =	smov.u32 s21  }
0x1c: {  	s22 =	smov.u32 @p3 s8;
	s16 =	smov.u32 s11;
	s11 =	smov.u32 s20  }
0x1d: {  	s13 =	smov.u32 s22;
	s15 =	sadd.s32 $0x1, s15;
	s14 =	smov.u32 s23  }
.LBB1_1:
0x1e: {  	p0 =	sge.u32 s15, s7  }
0x1f: {  	s20 =	sshrl.u32 @!p0 s12, $0x3  }
0x20: {  	s21 =	sshll.u32 @!p0 s11, $0x3;
	s20 =	smul.u32 @!p0 $0x128000, s20  }
0x21: {  	s21 =	sand.u32 @!p0 $0xFFFFFC00, s21  }
0x22: {  	s20 =	sadd.s32 @!p0 s20, s21  }
0x23: {  	s22 =	sshll.u32 @!p0 s12, $0x7;
	s25 =	smul.u32 @!p0 $0x94000, s14;
	s21 =	sshrl.u32 @!p0 s20, $0xC  }
0x24: {  	s24 =	sand.u32 @!p0 $0x7F, s11;
	s22 =	sand.u32 @!p0 $0x380, s22;
	s21 =	smulhi.u32 @!p0 $0x6EB3E46, s21  }
0x25: {  	s22 =	sor.u32 @!p0 s24, s22;
	s24 =	smul.u32 @!p0 $0x25000, s13  }
0x26: {  	s31 =	sadd.s32 $0xFFFFFFFF, s15;
	s23 =	smul.u32 @!p0 $0x25000, s21;
	s21 =	sand.u32 @!p0 $0x7, s21  }
0x27: {  	s20 =	sor.u32 @!p0 s20, s22;
	s22 =	sadd.s32 @!p0 s2, s25;
	s21 =	smul.u32 @!p0 $0x4A00, s21  }
0x28: {  	s25 =	sxor.u32 @!p0 $0xFFFFFFFF, s15;
	s22 =	sadd.s32 @!p0 s24, s22;
	s20 =	ssub.s32 @!p0 s20, s23  }
0x29: {  	s23 =	sshll.u32 @!p0 s25, $0xE;
	s24 =	sshrl.u32 @!p0 s20, $0x3;
	s21 =	sadd.s32 @!p0 s21, s22  }
0x2a: {  	s22 =	sand.u32 @!p0 $0x4000, s23;
	s20 =	sand.u32 @!p0 $0x7, s20;
	s21 =	sadd.s32 @!p0 s24, s21  }
0x2b: {  	[tilespmem:s22], [sflag:$0x1] =	stream.linear.gather @!p0 [hbm4b:s21+s20], $0x4000, $0x38;
	[tilespmem:$0x10000] =	vst v63  }
0x2c: {  	p0 =	sge.u32 s31, s7  }
.Ltmp2:
0x2d: {  	_ = 	snop;
	(pc) =	sbr.rel @p0 .LBB1_7-.Ltmp2, $1  }
0x2e: {  	_ =	sdelay $0x3  }
0x2f: {  	s20 =	sand.u32 $0x4000, s10  }
0x30: {  	_ =	swait.ge [sflag:s6], $0x4000;
	s23 =	sshll.u32 s15, $0xE;
	s21 =	sor.u32 $0x8800, s20  }
0x31: {  	s22 =	sor.u32 $0x800, s20;
	[sflag:s6] =	ssyncset.done $0x0;
	s31 =	sand.u32 $0x4000, s23  }
0x32: {  	s23 =	simm.s32 $0x0;
	[sflag:s6] =	ssyncadd.s32 $0xFFFFC000;
	s20 =	sor.u32 $0x8000, s31  }
.LBB1_3:
0x33: {  	v0 =	vld [tilespmem:s22+$0x470]  }
0x34: {  	v1 =	vld [tilespmem:s22+$0xFFFFF810]  }
0x35: {  	v2 =	vld [tilespmem:s22+$0xFFFFF820]  }
0x36: {  	v3 =	vld [tilespmem:s22+$0xFFFFF830]  }
0x37: {  	v4 =	vld [tilespmem:s22+$0xFFFFF840]  }
0x38: {  	v5 =	vld [tilespmem:s22+$0xFFFFF850];
	[tilespmem:s21+$0x470] =	vst v0  }
0x39: {  	[tilespmem:s21+$0xFFFFF810] =	vst v1;
	v0 =	vld [tilespmem:s22+$0xFFFFF860]  }
0x3a: {  	[tilespmem:s21+$0xFFFFF820] =	vst v2;
	v1 =	vld [tilespmem:s22+$0xFFFFF870]  }
0x3b: {  	[tilespmem:s21+$0xFFFFF830] =	vst v3;
	v2 =	vld [tilespmem:s22+$0xFFFFFC00]  }
0x3c: {  	[tilespmem:s21+$0xFFFFF840] =	vst v4;
	v3 =	vld [tilespmem:s22+$0xFFFFFC10]  }
0x3d: {  	[tilespmem:s21+$0xFFFFF850] =	vst v5;
	v4 =	vld [tilespmem:s22+$0xFFFFFC20]  }
0x3e: {  	v5 =	vld [tilespmem:s22+$0x420];
	[tilespmem:s21+$0xFFFFF860] =	vst v0  }
0x3f: {  	v0 =	vld [tilespmem:s22+$0xFFFFFC30];
	[tilespmem:s21+$0xFFFFF870] =	vst v1  }
0x40: {  	v1 =	vld [tilespmem:s22+$0xFFFFFC40];
	[tilespmem:s21+$0xFFFFFC00] =	vst v2  }
0x41: {  	[tilespmem:s21+$0xFFFFFC10] =	vst v3;
	v3 =	vld [tilespmem:s22+$0xFFFFFC60]  }
0x42: {  	[tilespmem:s21+$0xFFFFFC20] =	vst v4;
	v4 =	vld [tilespmem:s22+$0xFFFFFC70]  }
0x43: {  	v2 =	vld [tilespmem:s22+$0xFFFFFC50];
	[tilespmem:s21+$0x420] =	vst v5  }
0x44: {  	[tilespmem:s21+$0xFFFFFC30] =	vst v0;
	v0 =	vld [tilespmem:s22+$0x0]  }
0x45: {  	[tilespmem:s21+$0xFFFFFC40] =	vst v1;
	v1 =	vld [tilespmem:s22+$0x10]  }
0x46: {  	[tilespmem:s21+$0xFFFFFC60] =	vst v3;
	v3 =	vld [tilespmem:s22+$0x30]  }
0x47: {  	[tilespmem:s21+$0xFFFFFC70] =	vst v4;
	v4 =	vld [tilespmem:s22+$0x40]  }
0x48: {  	[tilespmem:s21+$0xFFFFFC50] =	vst v2;
	v2 =	vld [tilespmem:s22+$0x20]  }
0x49: {  	[tilespmem:s21+$0x0] =	vst v0;
	v0 =	vld [tilespmem:s22+$0x50]  }
0x4a: {  	[tilespmem:s21+$0x10] =	vst v1;
	v1 =	vld [tilespmem:s22+$0x60]  }
0x4b: {  	[tilespmem:s21+$0x30] =	vst v3;
	v3 =	vld [tilespmem:s22+$0x400]  }
0x4c: {  	[tilespmem:s21+$0x40] =	vst v4;
	v4 =	vld [tilespmem:s22+$0x410]  }
0x4d: {  	[tilespmem:s21+$0x20] =	vst v2;
	v2 =	vld [tilespmem:s22+$0x70]  }
0x4e: {  	[tilespmem:s21+$0x50] =	vst v0;
	v0 =	vld [tilespmem:s22+$0x430]  }
0x4f: {  	[tilespmem:s21+$0x60] =	vst v1;
	v1 =	vld [tilespmem:s22+$0x440]  }
0x50: {  	[tilespmem:s21+$0x400] =	vst v3;
	v3 =	vld [tilespmem:s22+$0x450]  }
0x51: {  	[tilespmem:s21+$0x410] =	vst v4;
	v4 =	vld [tilespmem:s22+$0x460]  }
0x52: {  	s25 =	simm.s32 $0x0;
	s26 =	sadd.s32 $0x1000, s22;
	s24 =	smov.u32 s21;
	[tilespmem:s21+$0x70] =	vst v2;
	v2 =	vld [tilespmem:s22+$0xFFFFF800]  }
.LBB1_4:
0x53: {  	v5 =	vld [tilespmem:s26+$0x470];
	s25 =	sadd.s32 $0x200, s25;
	[tilespmem:s24+$0x430] =	vst v0  }
0x54: {  	v0 =	vld [tilespmem:s26+$0xFFFFF810];
	p0 =	slt.u32 s25, $0x600;
	[tilespmem:s24+$0x440] =	vst v1  }
0x55: {  	v1 =	vld [tilespmem:s26+$0xFFFFF820];
	[tilespmem:s24+$0x450] =	vst v3  }
0x56: {  	v3 =	vld [tilespmem:s26+$0xFFFFF830];
	[tilespmem:s24+$0x460] =	vst v4  }
0x57: {  	v4 =	vld [tilespmem:s26+$0xFFFFF840];
	[tilespmem:s24+$0xFFFFF800] =	vst v2;
	s24 =	sadd.s32 $0x1000, s24  }
0x58: {  	v2 =	vld [tilespmem:s26+$0xFFFFF850];
	[tilespmem:s24+$0x470] =	vst v5  }
0x59: {  	[tilespmem:s24+$0xFFFFF810] =	vst v0;
	v0 =	vld [tilespmem:s26+$0xFFFFF860]  }
0x5a: {  	[tilespmem:s24+$0xFFFFF820] =	vst v1;
	v1 =	vld [tilespmem:s26+$0xFFFFF870]  }
0x5b: {  	[tilespmem:s24+$0xFFFFF830] =	vst v3;
	v3 =	vld [tilespmem:s26+$0xFFFFFC00]  }
0x5c: {  	[tilespmem:s24+$0xFFFFF840] =	vst v4;
	v4 =	vld [tilespmem:s26+$0xFFFFFC10]  }
0x5d: {  	[tilespmem:s24+$0xFFFFF850] =	vst v2;
	v2 =	vld [tilespmem:s26+$0xFFFFFC20]  }
0x5e: {  	[tilespmem:s24+$0xFFFFF860] =	vst v0;
	v0 =	vld [tilespmem:s26+$0xFFFFFC30]  }
0x5f: {  	[tilespmem:s24+$0xFFFFF870] =	vst v1;
	v1 =	vld [tilespmem:s26+$0xFFFFFC40]  }
0x60: {  	[tilespmem:s24+$0xFFFFFC00] =	vst v3;
	v3 =	vld [tilespmem:s26+$0xFFFFFC50]  }
0x61: {  	[tilespmem:s24+$0xFFFFFC10] =	vst v4;
	v4 =	vld [tilespmem:s26+$0xFFFFFC60]  }
0x62: {  	[tilespmem:s24+$0xFFFFFC20] =	vst v2;
	v2 =	vld [tilespmem:s26+$0xFFFFFC70]  }
0x63: {  	[tilespmem:s24+$0xFFFFFC30] =	vst v0;
	v0 =	vld [tilespmem:s26+$0x0]  }
0x64: {  	[tilespmem:s24+$0xFFFFFC40] =	vst v1;
	v1 =	vld [tilespmem:s26+$0x10]  }
0x65: {  	[tilespmem:s24+$0xFFFFFC50] =	vst v3;
	v3 =	vld [tilespmem:s26+$0x20]  }
0x66: {  	[tilespmem:s24+$0xFFFFFC60] =	vst v4;
	v4 =	vld [tilespmem:s26+$0x30]  }
0x67: {  	[tilespmem:s24+$0xFFFFFC70] =	vst v2;
	v2 =	vld [tilespmem:s26+$0x40]  }
0x68: {  	[tilespmem:s24+$0x0] =	vst v0;
	v0 =	vld [tilespmem:s26+$0x50]  }
0x69: {  	[tilespmem:s24+$0x10] =	vst v1;
	v1 =	vld [tilespmem:s26+$0x60]  }
0x6a: {  	[tilespmem:s24+$0x20] =	vst v3;
	v3 =	vld [tilespmem:s26+$0x70]  }
0x6b: {  	[tilespmem:s24+$0x30] =	vst v4;
	v4 =	vld [tilespmem:s26+$0x400]  }
0x6c: {  	[tilespmem:s24+$0x40] =	vst v2;
	v2 =	vld [tilespmem:s26+$0x410]  }
0x6d: {  	[tilespmem:s24+$0x50] =	vst v0;
	v5 =	vld [tilespmem:s26+$0x420]  }
.Ltmp3:
0x6e: {  	[tilespmem:s24+$0x60] =	vst v1;
	v0 =	vld [tilespmem:s26+$0x430];
	(pc) =	sbr.rel @p0 .LBB1_4-.Ltmp3, $4  }
0x6f: {  	[tilespmem:s24+$0x70] =	vst v3;
	v1 =	vld [tilespmem:s26+$0x440]  }
0x70: {  	[tilespmem:s24+$0x400] =	vst v4;
	v3 =	vld [tilespmem:s26+$0x450]  }
0x71: {  	[tilespmem:s24+$0x410] =	vst v2;
	v4 =	vld [tilespmem:s26+$0x460]  }
0x72: {  	v2 =	vld [tilespmem:s26+$0xFFFFF800];
	[tilespmem:s24+$0x420] =	vst v5;
	s26 =	sadd.s32 $0x1000, s26  }
0x73: {  	s23 =	sadd.s32 $0x1, s23  }
0x74: {  	p0 =	sne.s32 s23, $0x8  }
.Ltmp4:
0x75: {  	[tilespmem:s24+$0x430] =	vst v0;
	(pc) =	sbr.rel @p0 .LBB1_3-.Ltmp4, $4  }
0x76: {  	[tilespmem:s24+$0x440] =	vst v1  }
0x77: {  	[tilespmem:s24+$0x450] =	vst v3  }
0x78: {  	[tilespmem:s24+$0x460] =	vst v4  }
0x79: {  	s21 =	sadd.s32 $0x80, s21;
	s22 =	sadd.s32 $0x80, s22;
	[tilespmem:s24+$0xFFFFF800] =	vst v2  }
0x7a: {  	s21 =	sshrl.u32 s18, $0x3  }
0x7b: {  	s22 =	sshll.u32 s16, $0x3;
	s21 =	smul.u32 $0x128000, s21  }
0x7c: {  	s22 =	sand.u32 $0xFFFFFC00, s22  }
0x7d: {  	s21 =	sadd.s32 s21, s22  }
0x7e: {  	s19 =	smul.u32 $0x25000, s19;
	s22 =	sshrl.u32 s21, $0xC  }
0x7f: {  	s22 =	smulhi.u32 $0x6EB3E46, s22  }
0x80: {  	s28 =	sshll.u32 s18, $0x7;
	s29 =	sand.u32 $0x7F, s16;
	s17 =	smul.u32 $0x4A000, s17  }
0x81: {  	s18 =	sand.u32 $0x380, s28;
	s23 =	smul.u32 $0x25000, s22;
	s30 =	sand.u32 $0x7, s22  }
0x82: {  	s16 =	sor.u32 s29, s18;
	s18 =	smul.u32 $0x4A00, s30  }
.Ltmp5:
0x83: {  	s19 =	sadd.s32 s5, s19;
	s16 =	sor.u32 s21, s16;
	(pc) =	sbr.rel .LBB1_7-.Ltmp5, $4  }
0x84: {  	s17 =	sadd.s32 s17, s19;
	s16 =	ssub.s32 s16, s23  }
0x85: {  	s31 =	sshrl.u32 s16, $0x3;
	s17 =	sadd.s32 s18, s17  }
0x86: {  	s16 =	sand.u32 $0x7, s16;
	s17 =	sadd.s32 s31, s17  }
0x87: {  	[hbm4b:s17+s16] =	stream.linear.scatter [tilespmem:s20], [sflag:$0x2], $0x4000, $0x38;
	[tilespmem:$0x10000] =	vst v63  }
.LBB1_8:
0x88: {  	_ =	sfence.sel $0x180000  }
0x89: {  	s2 =	simm.s32 $0x1;
	[bflag:$0x0] =	sbarrier.arrive $0xFFFF  }
0x8a: {  	s31 =	simm.s32 $0x2;
	[sflag:s2] =	ssyncpa.u1 $0x1  }
0x8b: {  	[sflag:s31] =	ssyncpa.u1 $0x1  }
0x8c: {  	p0 =	sne.s32 s0, $0x0;
	_ =	strace $0x90000047  }
0x8d: {  	s0 =	sadd.s32 @!p0 $0x100000, s1;
	[bflag:$0x2] =	sbarrier.arrive $0xFFFF  }
0x8e: {  	[sflag:s0] =	ssyncadd.tile.s32 @!p0 $0x1;
	_ =	shalt  }
.Lfunc_end1:
_tile_overlayer_lowered:
.L_overlay_start_2:
0x8f: {  	(tag) =	ssettag $0x2  }
0x90: {  	s0 =	rddreg [dreg:$0x0];
	s2 =	stileid.u32  }
0x91: {  	s1 =	rddreg [dreg:$0x1];
	p0 =	sne.s32 s2, $0x0  }
0x92: {  	s3 =	rddreg [dreg:$0x2];
	[bflag:$0x3] =	sbarrier.arrive $0xFFFF;
	s2 =	simm.s32 @!p0 $0x1C01  }
0x93: {  	[timem:s3], [sflag:s2] =	dma.local @!p0 [hbm:s0], s1  }
0x94: {  	s0 =	simm.s32 @!p0 $0x1  }
0x95: {  	_ =	swait.ge @!p0 [sflag:s0], s1  }
0x96: {  	s1 =	ssub.s32 @!p0 $0x0, s1;
	[sflag:s0] =	ssyncset.done @!p0 $0x0  }
0x97: {  	[sflag:s0] =	ssyncadd.s32 @!p0 s1  }
0x98: {  	[bflag:$0x3] =	sbarrier.arrive $0xFFFF  }
0x99: {  	_ =	shalt  }

// kernel: sparse-core-data-format-call.cloned.1.call-start
scs
called_computation.1_lowered:
.L_overlay_start_0:
0x0: {  	s2 =	sld [smem:$0x3FD9]  }
0x1: {  	s3 =	sld [smem:$0x3FFE];
	_ =	sdelay $0x1  }
0x2: {  	s1 =	srdreg.scid  }
0x3: {  	s0 =	sand.u32 $0x1, s1  }
0x4: {  	s18 =	sshll.u32 s0, $0xA;
	s2 =	sadd.s32 s3, s2  }
0x5: {  	s2 =	sadd.s32 s2, s18  }
0x6: {  	[smem:$0x3FC1] =	sst s2  }
0x7: {  	_ = 	snop  }
0x8: {  	s2 =	sld [smem:$0x3FD0];
	(tm) =	ssettm $0x1  }
0x9: {  	s19 =	sld [smem:$0x3FFB];
	_ =	sdelay $0x3  }
0xa: {  	_ =	strace s19  }
0xb: {  	s3 =	sld [smem:$0x3FFC];
	_ =	sdelay $0x3  }
0xc: {  	_ =	strace s3  }
0xd: {  	s3 =	sld [smem:$0x3FFD];
	_ =	sdelay $0x3  }
0xe: {  	_ =	strace s3  }
0xf: {  	_ =	strace $0x8FFFFFFF  }
0x10: {  	s20 =	sld [smem:$0x3FDB];
	_ =	sdelay $0x1  }
0x11: {  	s4 =	simm.s32 $_scs_section_size  }
0x12: {  	s5 =	simm.s32 $_size__tile_overlayer_lowered;
	s6 =	simm.s32 $_tile_overlayer_lowered  }
0x13: {  	s23 =	simm.s32 $0x1BFF;
	s22 =	sshll.u32 s6, $0x1;
	s3 =	sadd.s32 s4, s20  }
0x14: {  	s7 =	simm.s32 $0x0;
	s21 =	sshll.u32 s5, $0x1;
	s5 =	sadd.s32 s22, s3  }
0x15: {  	[timem:s7], [sflag:s23] =	dma.local [hbm:s5], s21  }
0x16: {  	_ =	swait.ge [sflag:s23], s21  }
0x17: {  	s4 =	ssub.s32 $0x0, s21;
	[sflag:s23] =	ssyncset.done $0x0  }
0x18: {  	[sflag:s23] =	ssyncadd.s32 s4;
	_ =	sdelay $0x1  }
0x19: {  	s24 =	simm.s32 $0x1B8B  }
0x1a: {  	_ =	swait.ge [sflag:s24], $0x1  }
0x1b: {  	[sflag:s24] =	ssyncset.done $0x0  }
0x1c: {  	s26 =	simm.s32 $0x1B8E;
	s25 =	sld [smem:$0x3FFE];
	[sflag:s24] =	ssyncadd.s32 $0xFFFFFFFF  }
0x1d: {  	s27 =	simm.s32 $execute0_lowered;
	[smem:$0x3FD2] =	sst s26  }
0x1e: {  	s5 =	sshll.u32 s27, $0x1;
	_ =	strace $0x8000004F;
	[dreg:$0x1] =	wrdreg $0xFFFFFFFF  }
0x1f: {  	s28 =	simm.s32 $_size_execute0_lowered;
	s3 =	sadd.s32 s3, s5;
	[dreg:$0x0] =	wrdreg $0x0  }
0x20: {  	s5 =	sshll.u32 s28, $0x1;
	[dreg:$0x2] =	wrdreg s3  }
0x21: {  	[dreg:$0x3] =	wrdreg s5  }
0x22: {  	[dreg:$0x4] =	wrdreg $0xC0  }
0x23: {  	_ =	task [dreg:s7], $0x5FFFF  }
0x24: {  	[dreg:$0x1] =	wrdreg $0xFFFFFFFF  }
0x25: {  	[dreg:$0x0] =	wrdreg $0x60  }
0x26: {  	[dreg:$0x2] =	wrdreg s25  }
0x27: {  	[dreg:$0x3] =	wrdreg s2  }
0x28: {  	[dreg:$0x4] =	wrdreg $0x9  }
0x29: {  	_ =	task.clear_ibuf [dreg:s7], $0x5FFFF;
	_ =	strace $0x9000004F  }
0x2a: {  	s29 =	simm.s32 $0x9;
	_ =	strace $0x80000051  }
0x2b: {  	_ =	swait.ge [sflag:s29], $0x1  }
0x2c: {  	[sflag:s29] =	ssyncadd.s32 $0xFFFFFFFF  }
0x2d: {  	_ =	strace $0x90000051  }
0x2e: {  	_ =	sfence  }
0x2f: {  	s30 =	sld [smem:$0x0];
	_ =	sdelay $0x2  }
0x30: {  	s31 =	sshll.u32 s1, $0xD;
	s1 =	sshrl.u32 s1, $0x2  }
0x31: {  	s3 =	sand.u32 $0x4000, s31;
	s1 =	sadd.s32 s1, s30  }
0x32: {  	s0 =	sor.u32 s3, s0;
	s1 =	sshll.u32 s1, $0x11  }
0x33: {  	s0 =	sor.u32 s1, s0  }
0x34: {  	s0 =	sadd.s32 $0x8F2B, s0  }
0x35: {  	[sflag:s0] =	ssyncadd.remote.s32 $0x1  }
0x36: {  	_ =	sfence.sel $0xFFFF  }
0x37: {  	[dreg:$0x0] =	wrdreg $0xFFFFFFFF;
	(pc) =	sbr.abs _section_cstart, $3  }
0x38: {  	[dreg:$0x1] =	wrdreg $0xFFFFFFFF  }
0x39: {  	_ =	task.clear_ibuf [dreg:s7], $0x2FFFF;
	_ =	strace $0x9FFFFFFF  }
0x3a: {  	(tm) =	ssettm $0x7FFFFFFF  }
0x3b: {  	_ =	shalt  }
tec
execute0_lowered:
.L_overlay_start_1:
0x0: {  	(tag) =	ssettag $0x1  }
0x1: {  	s4 =	rddreg [dreg:$0x0]  }
0x2: {  	s2 =	rddreg [dreg:$0x1]  }
0x3: {  	s1 =	stileid.u32;
	s0 =	rddreg [dreg:$0x2];
	_ =	strace $0x80000050  }
0x4: {  	s5 =	srdreg.scid;
	s8 =	simm.s32 $0x2;
	s15 =	simm.s32 $0x0  }
0x5: {  	p0 =	por $0x0, $0x0;
	s9 =	simm.s32 $0x96000;
	s16 =	simm.s32 $0x0  }
0x6: {  	s14 =	simm.s32 $0x0;
	s10 =	simm.s32 $0x0;
	s3 =	sand.u32 $0x1, s1  }
0x7: {  	s13 =	simm.s32 $0x0;
	s5 =	sshll.u32 s5, $0x4;
	s6 =	ssub.s32 $0x2, s3  }
.Ltmp0:
0x8: {  	s7 =	sshrl.u32 s6, $0x1;
	s6 =	sand.u32 $0x1, s6;
	(pc) =	sbr.rel .LBB1_1-.Ltmp0, $4  }
0x9: {  	s4 =	sadd.s32 $0x13AE00, s4;
	s5 =	sand.u32 $0x10, s5;
	s6 =	sadd.s32 s6, s7  }
0xa: {  	s31 =	sor.u32 s1, s5;
	s5 =	simm.s32 $0x1;
	s6 =	smul.u32 $0x12C, s6  }
0xb: {  	s12 =	smov.u32 s3;
	s7 =	sshrl.u32 s31, $0x1;
	[sflag:s5] =	ssyncpa.u1 $0x0  }
0xc: {  	[sflag:s8] =	ssyncpa.u1 $0x0;
	s11 =	smov.u32 s7;
	s8 =	sor.u32 $0x1, s6  }
.LBB1_4:
0xd: {  	s19 =	sshrl.u32 s16, $0x3  }
0xe: {  	s20 =	sshll.u32 s15, $0x3;
	s19 =	smul.u32 $0x1800, s19  }
0xf: {  	s25 =	sshll.u32 s16, $0x7;
	s20 =	sand.u32 $0xFFFFFC00, s20  }
0x10: {  	s16 =	sand.u32 $0x380, s25;
	s19 =	sadd.s32 s19, s20  }
0x11: {  	s16 =	sor.u32 s16, s19  }
0x12: {  	s19 =	smulhi.u32 $0xAAAAAAAB, s16;
	_ =	sdelay $0x1  }
0x13: {  	s26 =	sand.u32 $0x7F, s15;
	s19 =	sshrl.u32 s19, $0x9  }
0x14: {  	s15 =	sor.u32 s26, s16;
	s27 =	smulhi.u32 $0xA3D70B, s19  }
0x15: {  	s28 =	smulhi.u32 $0xAAAAAAAB, s15  }
0x16: {  	s16 =	sshrl.u32 s27, $0x1  }
0x17: {  	s20 =	sshrl.u32 s28, $0x9;
	s16 =	smul.u32 $0x320, s16  }
0x18: {  	s20 =	smul.u32 $0x300, s20  }
0x19: {  	s14 =	smul.u32 $0x258000, s14;
	s16 =	ssub.s32 s19, s16  }
0x1a: {  	s15 =	ssub.s32 s15, s20;
	s16 =	smul.u32 $0x60, s16  }
0x1b: {  	s14 =	sadd.s32 s2, s14;
	s29 =	sand.u32 $0x7, s15  }
0x1c: {  	s15 =	sshrl.u32 s15, $0x3;
	s30 =	sshll.u32 s29, $0x12;
	s14 =	sadd.s32 s16, s14  }
0x1d: {  	[tilespmem:s18+$0x0 ss:$0x81] =	vst.msk $0xffff, v0;
	s31 =	sor.u32 $0x80, s30;
	s14 =	sadd.s32 s15, s14  }
0x1e: {  	[hbm4b:s14+s31] =	stream.strided.scatter [tilespmem:s17], [sflag:$0x2], $0x1000, s9, s31, $0x20;
	[tilespmem:$0x4040] =	vst v63  }
.LBB1_5:
0x1f: {  	s17 =	sadd.s32 $0x80, s10  }
0x20: {  	s14 =	sadd.s32 $0x10, s11;
	s18 =	smov.u32 s11;
	p2 =	sgt.s32 s17, $0x2BF  }
0x21: {  	s18 =	smov.u32 @p2 s14  }
0x22: {  	s20 =	smov.u32 s12;
	s14 =	sadd.s32 $0x2, s12;
	p3 =	sgt.s32 s18, $0x31F  }
0x23: {  	s20 =	smov.u32 @p3 s14  }
0x24: {  	s17 =	simm.s32 @p2 $0x0;
	p2 =	sgt.s32 s20, $0x1  }
0x25: {  	p1 =	slt.u32 s13, $0x2;
	s20 =	smov.u32 @p2 s3;
	p2 =	sne.s32 s13, s8  }
.Ltmp1:
0x26: {  	s19 =	simm.s32 @!p1 $0x2;
	(pc) =	sbr.rel @!p2 .LBB1_6-.Ltmp1, $4  }
0x27: {  	s15 =	smov.u32 s10;
	s16 =	smov.u32 s11;
	_ =	swait.ge @!p1 [sflag:s19], $0x1000  }
0x28: {  	p0 =	por !p0, !p0;
	[sflag:s19] =	ssyncset.done @!p1 $0x0;
	s10 =	smov.u32 s17  }
0x29: {  	s18 =	smov.u32 @p3 s7;
	s14 =	smov.u32 s12;
	[sflag:s19] =	ssyncadd.s32 @!p1 $0xFFFFF000  }
0x2a: {  	s11 =	smov.u32 s18;
	s13 =	sadd.s32 $0x1, s13;
	s12 =	smov.u32 s20  }
.LBB1_1:
0x2b: {  	p1 =	sge.u32 s13, s6;
	s18 =	smov.u32 s12;
	s21 =	smov.u32 s11  }
0x2c: {  	p2 =	sgt.s32 @!p1 s12, $0x1;
	s17 =	sand.u32 @!p1 $0x1FFFFFF, s10;
	s20 =	sshra.s32 @!p1 s12, $0x1F  }
0x2d: {  	s22 =	sshra.s32 @!p1 s11, $0x1F;
	p2 =	por !p2, p1;
	s19 =	smulhi.u32 @!p1 $0x5D1746, s17  }
0x2e: {  	s20 =	sand.u32 @!p1 s20, s12;
	s18 =	simm.s32 @p2 $0x1;
	p2 =	sgt.s32 @!p1 s11, $0x31F  }
0x2f: {  	s22 =	sand.u32 @!p1 s22, s11;
	s20 =	sxor.u32 @!p1 $0xFFFFFFFF, s20;
	p2 =	por !p2, p1  }
0x30: {  	s18 =	sadd.s32 @!p1 s20, s18;
	s21 =	simm.s32 @p2 $0x31F;
	p2 =	sgt.s32 @!p1 s10, $0x240  }
0x31: {  	s21 =	ssub.s32 @!p1 s21, s22;
	p2 =	por !p2, p1;
	s22 =	smov.u32 s10  }
0x32: {  	s19 =	smul.u32 @!p1 $0x2C0, s19;
	s20 =	sadd.s32 @!p1 $0xFFFFFCE1, s21;
	s22 =	simm.s32 @p2 $0x240  }
0x33: {  	p2 =	sgt.s32 @!p1 s18, $0x0;
	s21 =	ssub.s32 @!p1 $0x320, s21;
	s18 =	sshll.u32 @!p1 s18, $0x5  }
0x34: {  	p3 =	sgt.s32 @!p1 s20, $0x0;
	s20 =	sshra.s32 @!p1 s10, $0x1F;
	s18 =	ssub.s32 @!p1 $0x20, s18  }
0x35: {  	p2 =	por !p2, p1;
	s20 =	sand.u32 @!p1 s20, s10;
	p3 =	por !p3, p1  }
0x36: {  	s18 =	simm.s32 @!p2 $0x0;
	s20 =	ssub.s32 @!p1 s22, s20;
	s21 =	simm.s32 @!p3 $0x0  }
0x37: {  	s31 =	sadd.s32 $0xFFFFFFFF, s13;
	s22 =	sadd.s32 @!p1 $0xFFFFFDC0, s20;
	s18 =	smul.u32 @!p1 s21, s18  }
0x38: {  	s17 =	ssub.s32 @!p1 s17, s19;
	s21 =	smul.u32 @!p1 $0x898000, s12;
	p3 =	sgt.s32 @!p1 s22, $0x7F  }
0x39: {  	s20 =	ssub.s32 @!p1 $0x2C0, s20;
	s22 =	smul.u32 @!p1 $0x2C00, s11;
	p2 =	por !p3, p1  }
0x3a: {  	s17 =	sshll.u32 @!p1 s17, $0x4;
	s19 =	sadd.s32 @!p1 s4, s21;
	s20 =	simm.s32 @!p2 $0x0  }
0x3b: {  	s19 =	sadd.s32 @!p1 s22, s19;
	s18 =	smul.u32 @!p1 s20, s18;
	s20 =	sxor.u32 @!p1 $0xFFFFFFFF, s13  }
0x3c: {  	s21 =	simm.s32 @!p1 $0x80;
	s17 =	sadd.s32 @!p1 s17, s19;
	s20 =	sshll.u32 @!p1 s20, $0xC  }
0x3d: {  	s19 =	simm.s32 @!p1 $0x20;
	s20 =	sand.u32 @!p1 $0x1000, s20;
	s18 =	sand.u32 @!p1 $0x3FFFFFE0, s18  }
0x3e: {  	[tilespmem:s20], [sflag:$0x1] =	stream.strided.gather @!p1 [hbm4b:s17+s19], s18, s21, s19, $0x38;
	[tilespmem:$0x4040] =	vst v63  }
0x3f: {  	p1 =	sge.u32 s31, s6  }
.Ltmp2:
0x40: {  	_ = 	snop;
	(pc) =	sbr.rel @p1 .LBB1_5-.Ltmp2, $1  }
0x41: {  	_ =	sdelay $0x3  }
0x42: {  	p1 =	sgt.s32 s14, $0x1  }
0x43: {  	s17 =	smov.u32 s14;
	s18 =	sshra.s32 s14, $0x1F;
	s19 =	smov.u32 s16  }
0x44: {  	s20 =	sshra.s32 s16, $0x1F;
	p2 =	sgt.s32 s15, $0x240;
	s21 =	sshra.s32 s15, $0x1F  }
0x45: {  	s17 =	simm.s32 @!p1 $0x1;
	s18 =	sand.u32 s18, s14;
	p1 =	sgt.s32 s16, $0x31F  }
0x46: {  	s24 =	sand.u32 s20, s16;
	s18 =	sxor.u32 $0xFFFFFFFF, s18;
	s19 =	simm.s32 @!p1 $0x31F  }
0x47: {  	s26 =	sand.u32 s21, s15;
	s17 =	sadd.s32 s18, s17;
	s18 =	ssub.s32 s19, s24  }
0x48: {  	s19 =	smov.u32 s15;
	p1 =	sgt.s32 s17, $0x0;
	s25 =	sadd.s32 $0xFFFFFCE1, s18  }
0x49: {  	s19 =	simm.s32 @!p2 $0x240;
	s17 =	sshll.u32 s17, $0x5;
	s18 =	ssub.s32 $0x320, s18  }
0x4a: {  	p2 =	sgt.s32 s25, $0x0;
	s19 =	ssub.s32 s19, s26;
	s17 =	ssub.s32 $0x20, s17  }
0x4b: {  	s18 =	simm.s32 @p2 $0x0;
	s20 =	sadd.s32 $0xFFFFFDC0, s19;
	s17 =	simm.s32 @p1 $0x0  }
0x4c: {  	s19 =	ssub.s32 $0x2C0, s19;
	p1 =	sgt.s32 s20, $0x7F;
	s17 =	smul.u32 s18, s17  }
0x4d: {  	s19 =	simm.s32 @p1 $0x0  }
0x4e: {  	s17 =	smul.u32 s19, s17;
	_ =	sdelay $0x1  }
0x4f: {  	s18 =	simm.s32 $0x1;
	s17 =	sand.u32 $0x3FFFFFE0, s17  }
0x50: {  	s18 =	simm.s32 @!p0 $0x0;
	_ =	swait.ge [sflag:s5], s17  }
0x51: {  	s27 =	sshll.u32 s18, $0xC;
	s17 =	ssub.s32 $0x0, s17;
	[sflag:s5] =	ssyncset.done $0x0  }
0x52: {  	s28 =	sor.u32 $0x10, s27;
	[sflag:s5] =	ssyncadd.s32 s17  }
0x53: {  	s29 =	smul.u32 $0x4080, s18;
	v1 =	vld [tilespmem:s28+$0x0]  }
0x54: {  	s30 =	sand.u32 $0x1, s13;
	v0 =	vld [tilespmem:s28+$0xFFFFFFF0]  }
0x55: {  	s18 =	smul.u32 $0x4080, s30;
	s17 =	sshrl.u32 s29, $0x2  }
0x56: {  	s19 =	sor.u32 $0x2000, s17  }
0x57: {  	s31 =	sshrl.u32 s18, $0x2;
	s18 =	sadd.s32 $0x0, s19  }
0x58: {  	s20 =	simm.s32 $0x4;
	s21 =	sadd.s32 $0x20, s28;
	s17 =	sor.u32 $0x2000, s31;
	[tilespmem:s18+$0x810 ss:$0x81] =	vst.msk $0xffff, v1  }
.LBB1_3:
0x59: {  	v1 =	vld [tilespmem:s21+$0x0];
	p1 =	sne.s32 s20, $0x1FC;
	[tilespmem:s18+$0x0 ss:$0x81] =	vst.msk $0xffff, v0;
	s18 =	smov.u32 s20;
	s20 =	sadd.s32 $0x4, s20  }
.Ltmp3:
0x5a: {  	v0 =	vld [tilespmem:s21+$0xFFFFFFF0];
	(pc) =	sbr.rel @p1 .LBB1_3-.Ltmp3, $4  }
0x5b: {  	_ = 	snop  }
0x5c: {  	s18 =	sshra.s32 s18, $0x2  }
0x5d: {  	s18 =	sadd.s32 s18, s19  }
0x5e: {  	s21 =	sadd.s32 $0x20, s21;
	[tilespmem:s18+$0x810 ss:$0x81] =	vst.msk $0xffff, v1  }
.Ltmp4:
0x5f: {  	_ = 	snop;
	(pc) =	sbr.rel .LBB1_4-.Ltmp4, $1  }
0x60: {  	_ =	sdelay $0x3  }
.LBB1_6:
0x61: {  	_ =	sfence.sel $0x180000  }
0x62: {  	s2 =	simm.s32 $0x1;
	[bflag:$0x0] =	sbarrier.arrive $0xFFFF  }
0x63: {  	s31 =	simm.s32 $0x2;
	[sflag:s2] =	ssyncpa.u1 $0x1  }
0x64: {  	[sflag:s31] =	ssyncpa.u1 $0x1  }
0x65: {  	p0 =	sne.s32 s1, $0x0;
	_ =	strace $0x90000050  }
0x66: {  	s0 =	sadd.s32 @!p0 $0x100000, s0;
	[bflag:$0x2] =	sbarrier.arrive $0xFFFF  }
0x67: {  	[sflag:s0] =	ssyncadd.tile.s32 @!p0 $0x1;
	_ =	shalt  }
.Lfunc_end1:
_tile_overlayer_lowered:
.L_overlay_start_2:
0x68: {  	(tag) =	ssettag $0x2  }
0x69: {  	s0 =	rddreg [dreg:$0x0];
	s2 =	stileid.u32  }
0x6a: {  	s1 =	rddreg [dreg:$0x1];
	p0 =	sne.s32 s2, $0x0  }
0x6b: {  	s3 =	rddreg [dreg:$0x2];
	[bflag:$0x3] =	sbarrier.arrive $0xFFFF;
	s2 =	simm.s32 @!p0 $0x1C01  }
0x6c: {  	[timem:s3], [sflag:s2] =	dma.local @!p0 [hbm:s0], s1  }
0x6d: {  	s0 =	simm.s32 @!p0 $0x1  }
0x6e: {  	_ =	swait.ge @!p0 [sflag:s0], s1  }
0x6f: {  	s1 =	ssub.s32 @!p0 $0x0, s1;
	[sflag:s0] =	ssyncset.done @!p0 $0x0  }
0x70: {  	[sflag:s0] =	ssyncadd.s32 @!p0 s1  }
0x71: {  	[bflag:$0x3] =	sbarrier.arrive $0xFFFF  }
0x72: {  	_ =	shalt  }

</sc_bundles>
